<compile_context>
chip_gen: v7x
topology: tpu7x:2x2x1
jax: 0.10.2.dev20260603
libtpu: 0.0.44.dev20260713+nightly
codegen_flags: <defaults>
</compile_context>

<pallas_src>
import functools

import jax
import jax.numpy as jnp
from jax import lax
from jax.experimental import pallas as pl
from jax.experimental.pallas import tpu as pltpu
from jax.experimental.pallas import tpu_sc as plsc

NUM_BINS = 64
EMB_DIM = 64
BATCH = 4096
SEQ = 200

NC = 2
NS = 16
NW = NC * NS
L = 16

B = BATCH * SEQ
B_PER_W = B // NW
CHUNK = 128
NSTEP = B_PER_W // CHUNK
NBUF = 4
ROW_W128 = 2 * EMB_DIM


def _body(idx_hbm, table_hbm, out_hbm, shared, idx_v, tab_v, bufs,
          stage_sem, gsem, ssem):
    sid = lax.axis_index("s")
    wid = sid * NC + lax.axis_index("c")
    base = wid * B_PER_W

    @pl.when(sid == 0)
    def _():
        pltpu.sync_copy(table_hbm, tab_v)

        def build(r, c):
            src = lax.bitwise_xor(r, 1)
            for c4 in range(EMB_DIM // L):
                row = tab_v[src, pl.ds(c4 * L, L)]
                bufs[0][r, pl.ds(c4 * L, L)] = row
                bufs[0][r, pl.ds(EMB_DIM + c4 * L, L)] = row
            return c

        lax.fori_loop(0, NUM_BINS, build, 0)
        pltpu.async_copy(bufs[0].at[pl.ds(0, NUM_BINS)], shared,
                         stage_sem).wait()

    pltpu.sync_copy(idx_hbm.at[wid], idx_v)
    plsc.subcore_barrier()

    for k in range(NBUF):
        pltpu.async_copy(shared.at[idx_v.at[k]], bufs[k], gsem)

    def step(jj, carry):
        for k in range(NBUF):
            j = jj * NBUF + k
            pltpu.make_async_copy(shared.at[idx_v.at[j]], bufs[k],
                                  gsem).wait()
            pltpu.async_copy(
                bufs[k], out_hbm.at[pl.ds(base + j * CHUNK, CHUNK)], ssem)

            @pl.when(jj < NSTEP // NBUF - 1)
            def _():
                pltpu.make_async_copy(
                    bufs[k], out_hbm.at[pl.ds(base, CHUNK)], ssem).wait()
                pltpu.async_copy(shared.at[idx_v.at[j + NBUF]], bufs[k],
                                 gsem)
        return carry

    lax.fori_loop(0, NSTEP // NBUF, step, 0)

    for k in range(NBUF):
        pltpu.make_async_copy(
            bufs[k], out_hbm.at[pl.ds(base, CHUNK)], ssem).wait()


@functools.partial(jax.jit, static_argnames=())
def kernel(duration_bins, table):
    idx = jnp.bitwise_xor(duration_bins.astype(jnp.int32), 1).reshape(
        NW, NSTEP, CHUNK)
    mesh = plsc.VectorSubcoreMesh(core_axis_name="c", subcore_axis_name="s")
    out = pl.kernel(
        _body,
        out_type=jax.ShapeDtypeStruct((B, ROW_W128), jnp.float32),
        mesh=mesh,
        scratch_types=[
            pltpu.VMEM_SHARED((NUM_BINS, ROW_W128), jnp.float32),
            pltpu.VMEM((NSTEP, CHUNK), jnp.int32),
            pltpu.VMEM((NUM_BINS, EMB_DIM), jnp.float32),
            [pltpu.VMEM((CHUNK, ROW_W128), jnp.float32)
             for _ in range(NBUF)],
            pltpu.SemaphoreType.DMA,
            pltpu.SemaphoreType.DMA,
            pltpu.SemaphoreType.DMA,
        ],
    )(idx, table)
    return out.reshape(BATCH, SEQ, ROW_W128)[:, :, :EMB_DIM]

# --- scband reference (transcript-rebuilt; emitter-appended) ---
"""Pipeline reference for scband-duration-embedding-33200097198187 (READ-ONLY COPY).

The authoritative reference and input builder live on the scoring server;
editing this copy changes nothing except your own understanding.
"""

import jax, jax.numpy as jnp
import numpy as np

NUM_BINS = 64
EMB_DIM = 64
BATCH = 4096
SEQ = 200

def setup_inputs(seed: int = 0) -> dict:
    key = jax.random.key(seed)
    k1, k2 = jax.random.split(key)
    duration_bins = jax.random.randint(k1, (BATCH, SEQ), 0, NUM_BINS, dtype=jnp.int64 if jax.config.jax_enable_x64 else jnp.int32)
    table = jax.random.normal(k2, (NUM_BINS, EMB_DIM), dtype=jnp.float32)
    return {"duration_bins": duration_bins, "table": table}

def reference(duration_bins, table):
    # nn.Embedding lookup; dropout is identity in eval mode
    duration_emb = jnp.take(table, duration_bins, axis=0)
    return duration_emb

if __name__ == "__main__":
    import jax
    _d = setup_inputs()
    print(jax.jit(kernel)(*tuple(_d.values())))

</pallas_src>

<mosaic_0001>
#map = affine_map<(d0, d1) -> (0, 0, 0)>
#map1 = affine_map<(d0, d1) -> (0, 0)>
module attributes {stable_mosaic.version = 14 : i64} {
  func.func @_body(%arg0: i32, %arg1: i32, %arg2: memref<32x200x128xi32, #tpu.memory_space<hbm>>, %arg3: memref<64x64xf32, #tpu.memory_space<hbm>>, %arg4: memref<819200x128xf32, #tpu.memory_space<hbm>>, %arg5: memref<64x128xf32, #tpu.memory_space<vmem_shared>>, %arg6: memref<200x128xi32, #tpu.memory_space<vmem>>, %arg7: memref<64x64xf32, #tpu.memory_space<vmem>>, %arg8: memref<128x128xf32, #tpu.memory_space<vmem>>, %arg9: memref<128x128xf32, #tpu.memory_space<vmem>>, %arg10: memref<128x128xf32, #tpu.memory_space<vmem>>, %arg11: memref<128x128xf32, #tpu.memory_space<vmem>>, %arg12: memref<!tpu.dma_semaphore, #tpu.memory_space<semaphore_mem>>, %arg13: memref<!tpu.dma_semaphore, #tpu.memory_space<semaphore_mem>>, %arg14: memref<!tpu.dma_semaphore, #tpu.memory_space<semaphore_mem>>) attributes {dimension_semantics = [#tpu.dimension_semantics<core_parallel>, #tpu.dimension_semantics<subcore_parallel>], iteration_bounds = array<i64: 2, 16>, scalar_prefetch = 0 : i64, scratch_operands = 10 : i64, tpu.core_type = #tpu.core_type<sc_vector_subcore>, window_params = [{transform_indices = #map}, {transform_indices = #map1}, {transform_indices = #map1}]} {
    %mul3A = arith.constant 2 : i32
    %mul3A_0 = arith.muli %arg1, %mul3A : i32
    %add3A = arith.addi %mul3A_0, %arg0 : i32
    %mul3A_1 = arith.constant 25600 : i32
    %mul3A_2 = arith.muli %add3A, %mul3A_1 : i32
    %eq3A = arith.constant 0 : i32
    %eq3A_3 = arith.cmpi eq, %arg1, %eq3A : i32
    %convert_element_type3A = arith.extui %eq3A_3 : i1 to i32
    %cond3A = arith.constant 0 : i32
    %cond3A_4 = arith.cmpi ne, %convert_element_type3A, %cond3A : i32
    scf.if %cond3A_4 {
      "tpu.region"() ({
        %run_scoped3A = tpu.sem_alloc : memref<!tpu.dma_semaphore, #tpu.memory_space<semaphore_mem>>
        tpu.enqueue_dma source(%arg3 : memref<64x64xf32, #tpu.memory_space<hbm>>) target(%arg7 : memref<64x64xf32, #tpu.memory_space<vmem>>) target_semaphore(%run_scoped3A : memref<!tpu.dma_semaphore, #tpu.memory_space<semaphore_mem>>)
        tpu.wait_dma2 semaphore(%run_scoped3A : memref<!tpu.dma_semaphore, #tpu.memory_space<semaphore_mem>>) src(%arg3 : memref<64x64xf32, #tpu.memory_space<hbm>>) dst(%arg7 : memref<64x64xf32, #tpu.memory_space<vmem>>)
        tpu.yield
      }) : () -> ()
      %scan3A_52 = arith.constant 0 : i32
      %scan3A_53 = arith.constant 0 : i32
      %scan3A_54 = arith.constant 64 : i32
      %scan3A_55 = arith.addi %scan3A_53, %scan3A_54 : i32
      %scan3A_56 = arith.constant 1 : i32
      scf.for %scan3A_70 = %scan3A_53 to %scan3A_55 step %scan3A_56  : i32 {
        %xor3A = arith.constant 1 : i32
        %xor3A_71 = arith.xori %scan3A_70, %xor3A : i32
        %get3A = arith.index_cast %xor3A_71 : i32 to index
        %get3A_72 = arith.constant 0 : index
        %get3A_73 = tpu.vector_load %arg7[%get3A, %get3A_72] {strides = array<i32>} : memref<64x64xf32, #tpu.memory_space<vmem>>, vector<1x16xf32>,
        %get3A_74 = vector.shape_cast %get3A_73 : vector<1x16xf32> to vector<16xf32>
        %swap3A = arith.index_cast %scan3A_70 : i32 to index
        %swap3A_75 = arith.constant 0 : index
        %swap3A_76 = tpu.vector_load %arg8[%swap3A, %swap3A_75] {strides = array<i32>} : memref<128x128xf32, #tpu.memory_space<vmem>>, vector<1x16xf32>,
        %swap3A_77 = vector.shape_cast %swap3A_76 : vector<1x16xf32> to vector<16xf32>
        %swap3A_78 = vector.shape_cast %get3A_74 : vector<16xf32> to vector<1x16xf32>
        tpu.vector_store %arg8[%swap3A, %swap3A_75], %swap3A_78 {strides = array<i32>} : memref<128x128xf32, #tpu.memory_space<vmem>>, vector<1x16xf32>,
        %swap3A_79 = arith.index_cast %scan3A_70 : i32 to index
        %swap3A_80 = arith.constant 64 : index
        %swap3A_81 = tpu.vector_load %arg8[%swap3A_79, %swap3A_80] {strides = array<i32>} : memref<128x128xf32, #tpu.memory_space<vmem>>, vector<1x16xf32>,
        %swap3A_82 = vector.shape_cast %swap3A_81 : vector<1x16xf32> to vector<16xf32>
        %swap3A_83 = vector.shape_cast %get3A_74 : vector<16xf32> to vector<1x16xf32>
        tpu.vector_store %arg8[%swap3A_79, %swap3A_80], %swap3A_83 {strides = array<i32>} : memref<128x128xf32, #tpu.memory_space<vmem>>, vector<1x16xf32>,
        %get3A_84 = arith.index_cast %xor3A_71 : i32 to index
        %get3A_85 = arith.constant 16 : index
        %get3A_86 = tpu.vector_load %arg7[%get3A_84, %get3A_85] {strides = array<i32>} : memref<64x64xf32, #tpu.memory_space<vmem>>, vector<1x16xf32>,
        %get3A_87 = vector.shape_cast %get3A_86 : vector<1x16xf32> to vector<16xf32>
        %swap3A_88 = arith.index_cast %scan3A_70 : i32 to index
        %swap3A_89 = arith.constant 16 : index
        %swap3A_90 = tpu.vector_load %arg8[%swap3A_88, %swap3A_89] {strides = array<i32>} : memref<128x128xf32, #tpu.memory_space<vmem>>, vector<1x16xf32>,
        %swap3A_91 = vector.shape_cast %swap3A_90 : vector<1x16xf32> to vector<16xf32>
        %swap3A_92 = vector.shape_cast %get3A_87 : vector<16xf32> to vector<1x16xf32>
        tpu.vector_store %arg8[%swap3A_88, %swap3A_89], %swap3A_92 {strides = array<i32>} : memref<128x128xf32, #tpu.memory_space<vmem>>, vector<1x16xf32>,
        %swap3A_93 = arith.index_cast %scan3A_70 : i32 to index
        %swap3A_94 = arith.constant 80 : index
        %swap3A_95 = tpu.vector_load %arg8[%swap3A_93, %swap3A_94] {strides = array<i32>} : memref<128x128xf32, #tpu.memory_space<vmem>>, vector<1x16xf32>,
        %swap3A_96 = vector.shape_cast %swap3A_95 : vector<1x16xf32> to vector<16xf32>
        %swap3A_97 = vector.shape_cast %get3A_87 : vector<16xf32> to vector<1x16xf32>
        tpu.vector_store %arg8[%swap3A_93, %swap3A_94], %swap3A_97 {strides = array<i32>} : memref<128x128xf32, #tpu.memory_space<vmem>>, vector<1x16xf32>,
        %get3A_98 = arith.index_cast %xor3A_71 : i32 to index
        %get3A_99 = arith.constant 32 : index
        %get3A_100 = tpu.vector_load %arg7[%get3A_98, %get3A_99] {strides = array<i32>} : memref<64x64xf32, #tpu.memory_space<vmem>>, vector<1x16xf32>,
        %get3A_101 = vector.shape_cast %get3A_100 : vector<1x16xf32> to vector<16xf32>
        %swap3A_102 = arith.index_cast %scan3A_70 : i32 to index
        %swap3A_103 = arith.constant 32 : index
        %swap3A_104 = tpu.vector_load %arg8[%swap3A_102, %swap3A_103] {strides = array<i32>} : memref<128x128xf32, #tpu.memory_space<vmem>>, vector<1x16xf32>,
        %swap3A_105 = vector.shape_cast %swap3A_104 : vector<1x16xf32> to vector<16xf32>
        %swap3A_106 = vector.shape_cast %get3A_101 : vector<16xf32> to vector<1x16xf32>
        tpu.vector_store %arg8[%swap3A_102, %swap3A_103], %swap3A_106 {strides = array<i32>} : memref<128x128xf32, #tpu.memory_space<vmem>>, vector<1x16xf32>,
        %swap3A_107 = arith.index_cast %scan3A_70 : i32 to index
        %swap3A_108 = arith.constant 96 : index
        %swap3A_109 = tpu.vector_load %arg8[%swap3A_107, %swap3A_108] {strides = array<i32>} : memref<128x128xf32, #tpu.memory_space<vmem>>, vector<1x16xf32>,
        %swap3A_110 = vector.shape_cast %swap3A_109 : vector<1x16xf32> to vector<16xf32>
        %swap3A_111 = vector.shape_cast %get3A_101 : vector<16xf32> to vector<1x16xf32>
        tpu.vector_store %arg8[%swap3A_107, %swap3A_108], %swap3A_111 {strides = array<i32>} : memref<128x128xf32, #tpu.memory_space<vmem>>, vector<1x16xf32>,
        %get3A_112 = arith.index_cast %xor3A_71 : i32 to index
        %get3A_113 = arith.constant 48 : index
        %get3A_114 = tpu.vector_load %arg7[%get3A_112, %get3A_113] {strides = array<i32>} : memref<64x64xf32, #tpu.memory_space<vmem>>, vector<1x16xf32>,
        %get3A_115 = vector.shape_cast %get3A_114 : vector<1x16xf32> to vector<16xf32>
        %swap3A_116 = arith.index_cast %scan3A_70 : i32 to index
        %swap3A_117 = arith.constant 48 : index
        %swap3A_118 = tpu.vector_load %arg8[%swap3A_116, %swap3A_117] {strides = array<i32>} : memref<128x128xf32, #tpu.memory_space<vmem>>, vector<1x16xf32>,
        %swap3A_119 = vector.shape_cast %swap3A_118 : vector<1x16xf32> to vector<16xf32>
        %swap3A_120 = vector.shape_cast %get3A_115 : vector<16xf32> to vector<1x16xf32>
        tpu.vector_store %arg8[%swap3A_116, %swap3A_117], %swap3A_120 {strides = array<i32>} : memref<128x128xf32, #tpu.memory_space<vmem>>, vector<1x16xf32>,
        %swap3A_121 = arith.index_cast %scan3A_70 : i32 to index
        %swap3A_122 = arith.constant 112 : index
        %swap3A_123 = tpu.vector_load %arg8[%swap3A_121, %swap3A_122] {strides = array<i32>} : memref<128x128xf32, #tpu.memory_space<vmem>>, vector<1x16xf32>,
        %swap3A_124 = vector.shape_cast %swap3A_123 : vector<1x16xf32> to vector<16xf32>
        %swap3A_125 = vector.shape_cast %get3A_115 : vector<16xf32> to vector<1x16xf32>
        tpu.vector_store %arg8[%swap3A_121, %swap3A_122], %swap3A_125 {strides = array<i32>} : memref<128x128xf32, #tpu.memory_space<vmem>>, vector<1x16xf32>,
      }
      %scan3A_57 = arith.constant 64 : i32
      %dma_start3A_58 = arith.constant 0 : i32
      %dma_start3A_59 = arith.constant 0 : i32
      %dma_start3A_60 = tpu.memref_slice %arg8[%dma_start3A_58, %dma_start3A_59] : memref<128x128xf32, #tpu.memory_space<vmem>> -> memref<64x128xf32, #tpu.memory_space<vmem>>
      %dma_start3A_61 = arith.constant 0 : i32
      %dma_start3A_62 = arith.constant 0 : i32
      %dma_start3A_63 = tpu.memref_slice %arg8[%dma_start3A_61, %dma_start3A_62] : memref<128x128xf32, #tpu.memory_space<vmem>> -> memref<64x128xf32, #tpu.memory_space<vmem>>
      tpu.enqueue_dma source(%dma_start3A_63 : memref<64x128xf32, #tpu.memory_space<vmem>>) target(%arg5 : memref<64x128xf32, #tpu.memory_space<vmem_shared>>) target_semaphore(%arg12 : memref<!tpu.dma_semaphore, #tpu.memory_space<semaphore_mem>>)
      %dma_wait3A_64 = arith.constant 0 : i32
      %dma_wait3A_65 = arith.constant 0 : i32
      %dma_wait3A_66 = tpu.memref_slice %arg8[%dma_wait3A_64, %dma_wait3A_65] : memref<128x128xf32, #tpu.memory_space<vmem>> -> memref<64x128xf32, #tpu.memory_space<vmem>>
      %dma_wait3A_67 = arith.constant 0 : i32
      %dma_wait3A_68 = arith.constant 0 : i32
      %dma_wait3A_69 = tpu.memref_slice %arg8[%dma_wait3A_67, %dma_wait3A_68] : memref<128x128xf32, #tpu.memory_space<vmem>> -> memref<64x128xf32, #tpu.memory_space<vmem>>
      tpu.wait_dma2 semaphore(%arg12 : memref<!tpu.dma_semaphore, #tpu.memory_space<semaphore_mem>>) src(%dma_wait3A_69 : memref<64x128xf32, #tpu.memory_space<vmem>>) dst(%arg5 : memref<64x128xf32, #tpu.memory_space<vmem_shared>>)
    } else {
    }
    "tpu.region"() ({
      %run_scoped3A = tpu.sem_alloc : memref<!tpu.dma_semaphore, #tpu.memory_space<semaphore_mem>>
      %dma_start3A_52 = arith.constant 0 : i32
      %dma_start3A_53 = arith.constant 0 : i32
      %dma_start3A_54 = tpu.memref_slice %arg2[%add3A, %dma_start3A_52, %dma_start3A_53] : memref<32x200x128xi32, #tpu.memory_space<hbm>> -> memref<1x200x128xi32, #tpu.memory_space<hbm>>
      %dma_start3A_55 = tpu.memref_squeeze %dma_start3A_54 : memref<1x200x128xi32, #tpu.memory_space<hbm>> -> memref<200x128xi32, #tpu.memory_space<hbm>>
      %dma_start3A_56 = arith.constant 0 : i32
      %dma_start3A_57 = arith.constant 0 : i32
      %dma_start3A_58 = tpu.memref_slice %arg2[%add3A, %dma_start3A_56, %dma_start3A_57] : memref<32x200x128xi32, #tpu.memory_space<hbm>> -> memref<1x200x128xi32, #tpu.memory_space<hbm>>
      %dma_start3A_59 = tpu.memref_squeeze %dma_start3A_58 : memref<1x200x128xi32, #tpu.memory_space<hbm>> -> memref<200x128xi32, #tpu.memory_space<hbm>>
      tpu.enqueue_dma source(%dma_start3A_59 : memref<200x128xi32, #tpu.memory_space<hbm>>) target(%arg6 : memref<200x128xi32, #tpu.memory_space<vmem>>) target_semaphore(%run_scoped3A : memref<!tpu.dma_semaphore, #tpu.memory_space<semaphore_mem>>)
      %dma_wait3A_60 = arith.constant 0 : i32
      %dma_wait3A_61 = arith.constant 0 : i32
      %dma_wait3A_62 = tpu.memref_slice %arg2[%add3A, %dma_wait3A_60, %dma_wait3A_61] : memref<32x200x128xi32, #tpu.memory_space<hbm>> -> memref<1x200x128xi32, #tpu.memory_space<hbm>>
      %dma_wait3A_63 = tpu.memref_squeeze %dma_wait3A_62 : memref<1x200x128xi32, #tpu.memory_space<hbm>> -> memref<200x128xi32, #tpu.memory_space<hbm>>
      %dma_wait3A_64 = arith.constant 0 : i32
      %dma_wait3A_65 = arith.constant 0 : i32
      %dma_wait3A_66 = tpu.memref_slice %arg2[%add3A, %dma_wait3A_64, %dma_wait3A_65] : memref<32x200x128xi32, #tpu.memory_space<hbm>> -> memref<1x200x128xi32, #tpu.memory_space<hbm>>
      %dma_wait3A_67 = tpu.memref_squeeze %dma_wait3A_66 : memref<1x200x128xi32, #tpu.memory_space<hbm>> -> memref<200x128xi32, #tpu.memory_space<hbm>>
      tpu.wait_dma2 semaphore(%run_scoped3A : memref<!tpu.dma_semaphore, #tpu.memory_space<semaphore_mem>>) src(%dma_wait3A_67 : memref<200x128xi32, #tpu.memory_space<hbm>>) dst(%arg6 : memref<200x128xi32, #tpu.memory_space<vmem>>)
      tpu.yield
    }) : () -> ()
    %barrier3A = arith.constant 0 : index
    tpu.barrier barrier_id(%barrier3A)
    %dma_start3A = arith.constant 0 : i32
    %dma_start3A_5 = arith.constant 0 : i32
    %dma_start3A_6 = tpu.memref_slice %arg6[%dma_start3A, %dma_start3A_5] : memref<200x128xi32, #tpu.memory_space<vmem>> -> memref<1x128xi32, #tpu.memory_space<vmem>>
    %dma_start3A_7 = tpu.memref_squeeze %dma_start3A_6 : memref<1x128xi32, #tpu.memory_space<vmem>> -> memref<128xi32, #tpu.memory_space<vmem>>
    %dma_start3A_8 = arith.constant 0 : i32
    %dma_start3A_9 = arith.constant 0 : i32
    %dma_start3A_10 = tpu.memref_slice %arg5[%dma_start3A_8, %dma_start3A_9] : memref<64x128xf32, #tpu.memory_space<vmem_shared>> -> memref<64x128xf32, #tpu.memory_space<vmem_shared>>
    tpu.enqueue_indirect_dma source(%dma_start3A_10 : memref<64x128xf32, #tpu.memory_space<vmem_shared>>) target(%arg8 : memref<128x128xf32, #tpu.memory_space<vmem>>) offsets(%dma_start3A_7 : memref<128xi32, #tpu.memory_space<vmem>>) semaphore(%arg13 : memref<!tpu.dma_semaphore, #tpu.memory_space<semaphore_mem>>)
    %dma_start3A_11 = arith.constant 1 : i32
    %dma_start3A_12 = arith.constant 0 : i32
    %dma_start3A_13 = tpu.memref_slice %arg6[%dma_start3A_11, %dma_start3A_12] : memref<200x128xi32, #tpu.memory_space<vmem>> -> memref<1x128xi32, #tpu.memory_space<vmem>>
    %dma_start3A_14 = tpu.memref_squeeze %dma_start3A_13 : memref<1x128xi32, #tpu.memory_space<vmem>> -> memref<128xi32, #tpu.memory_space<vmem>>
    %dma_start3A_15 = arith.constant 0 : i32
    %dma_start3A_16 = arith.constant 0 : i32
    %dma_start3A_17 = tpu.memref_slice %arg5[%dma_start3A_15, %dma_start3A_16] : memref<64x128xf32, #tpu.memory_space<vmem_shared>> -> memref<64x128xf32, #tpu.memory_space<vmem_shared>>
    tpu.enqueue_indirect_dma source(%dma_start3A_17 : memref<64x128xf32, #tpu.memory_space<vmem_shared>>) target(%arg9 : memref<128x128xf32, #tpu.memory_space<vmem>>) offsets(%dma_start3A_14 : memref<128xi32, #tpu.memory_space<vmem>>) semaphore(%arg13 : memref<!tpu.dma_semaphore, #tpu.memory_space<semaphore_mem>>)
    %dma_start3A_18 = arith.constant 2 : i32
    %dma_start3A_19 = arith.constant 0 : i32
    %dma_start3A_20 = tpu.memref_slice %arg6[%dma_start3A_18, %dma_start3A_19] : memref<200x128xi32, #tpu.memory_space<vmem>> -> memref<1x128xi32, #tpu.memory_space<vmem>>
    %dma_start3A_21 = tpu.memref_squeeze %dma_start3A_20 : memref<1x128xi32, #tpu.memory_space<vmem>> -> memref<128xi32, #tpu.memory_space<vmem>>
    %dma_start3A_22 = arith.constant 0 : i32
    %dma_start3A_23 = arith.constant 0 : i32
    %dma_start3A_24 = tpu.memref_slice %arg5[%dma_start3A_22, %dma_start3A_23] : memref<64x128xf32, #tpu.memory_space<vmem_shared>> -> memref<64x128xf32, #tpu.memory_space<vmem_shared>>
    tpu.enqueue_indirect_dma source(%dma_start3A_24 : memref<64x128xf32, #tpu.memory_space<vmem_shared>>) target(%arg10 : memref<128x128xf32, #tpu.memory_space<vmem>>) offsets(%dma_start3A_21 : memref<128xi32, #tpu.memory_space<vmem>>) semaphore(%arg13 : memref<!tpu.dma_semaphore, #tpu.memory_space<semaphore_mem>>)
    %dma_start3A_25 = arith.constant 3 : i32
    %dma_start3A_26 = arith.constant 0 : i32
    %dma_start3A_27 = tpu.memref_slice %arg6[%dma_start3A_25, %dma_start3A_26] : memref<200x128xi32, #tpu.memory_space<vmem>> -> memref<1x128xi32, #tpu.memory_space<vmem>>
    %dma_start3A_28 = tpu.memref_squeeze %dma_start3A_27 : memref<1x128xi32, #tpu.memory_space<vmem>> -> memref<128xi32, #tpu.memory_space<vmem>>
    %dma_start3A_29 = arith.constant 0 : i32
    %dma_start3A_30 = arith.constant 0 : i32
    %dma_start3A_31 = tpu.memref_slice %arg5[%dma_start3A_29, %dma_start3A_30] : memref<64x128xf32, #tpu.memory_space<vmem_shared>> -> memref<64x128xf32, #tpu.memory_space<vmem_shared>>
    tpu.enqueue_indirect_dma source(%dma_start3A_31 : memref<64x128xf32, #tpu.memory_space<vmem_shared>>) target(%arg11 : memref<128x128xf32, #tpu.memory_space<vmem>>) offsets(%dma_start3A_28 : memref<128xi32, #tpu.memory_space<vmem>>) semaphore(%arg13 : memref<!tpu.dma_semaphore, #tpu.memory_space<semaphore_mem>>)
    %scan3A = arith.constant 0 : i32
    %scan3A_32 = arith.constant 0 : i32
    %scan3A_33 = arith.constant 50 : i32
    %scan3A_34 = arith.addi %scan3A_32, %scan3A_33 : i32
    %scan3A_35 = arith.constant 1 : i32
    scf.for %scan3A_52 = %scan3A_32 to %scan3A_34 step %scan3A_35  : i32 {
      %mul3A_53 = arith.constant 4 : i32
      %mul3A_54 = arith.muli %scan3A_52, %mul3A_53 : i32
      %add3A_55 = arith.constant 0 : i32
      %add3A_56 = arith.addi %mul3A_54, %add3A_55 : i32
      %dma_wait3A_57 = arith.constant 0 : i32
      %dma_wait3A_58 = tpu.memref_slice %arg6[%add3A_56, %dma_wait3A_57] : memref<200x128xi32, #tpu.memory_space<vmem>> -> memref<1x128xi32, #tpu.memory_space<vmem>>
      %dma_wait3A_59 = tpu.memref_squeeze %dma_wait3A_58 : memref<1x128xi32, #tpu.memory_space<vmem>> -> memref<128xi32, #tpu.memory_space<vmem>>
      %dma_wait3A_60 = arith.constant 0 : i32
      %dma_wait3A_61 = arith.constant 0 : i32
      %dma_wait3A_62 = tpu.memref_slice %arg5[%dma_wait3A_60, %dma_wait3A_61] : memref<64x128xf32, #tpu.memory_space<vmem_shared>> -> memref<64x128xf32, #tpu.memory_space<vmem_shared>>
      tpu.wait_indirect_dma semaphore(%arg13 : memref<!tpu.dma_semaphore, #tpu.memory_space<semaphore_mem>>) src(%dma_wait3A_62 : memref<64x128xf32, #tpu.memory_space<vmem_shared>>) dst(%arg8 : memref<128x128xf32, #tpu.memory_space<vmem>>)
      %mul3A_63 = arith.constant 128 : i32
      %mul3A_64 = arith.muli %add3A_56, %mul3A_63 : i32
      %add3A_65 = arith.addi %mul3A_2, %mul3A_64 : i32
      %dma_start3A_66 = arith.constant 0 : i32
      %dma_start3A_67 = tpu.memref_slice %arg4[%add3A_65, %dma_start3A_66] : memref<819200x128xf32, #tpu.memory_space<hbm>> -> memref<128x128xf32, #tpu.memory_space<hbm>>
      %dma_start3A_68 = arith.constant 0 : i32
      %dma_start3A_69 = tpu.memref_slice %arg4[%add3A_65, %dma_start3A_68] : memref<819200x128xf32, #tpu.memory_space<hbm>> -> memref<128x128xf32, #tpu.memory_space<hbm>>
      tpu.enqueue_dma source(%arg8 : memref<128x128xf32, #tpu.memory_space<vmem>>) target(%dma_start3A_69 : memref<128x128xf32, #tpu.memory_space<hbm>>) target_semaphore(%arg14 : memref<!tpu.dma_semaphore, #tpu.memory_space<semaphore_mem>>)
      %lt3A = arith.constant 49 : i32
      %lt3A_70 = arith.cmpi slt, %scan3A_52, %lt3A : i32
      %convert_element_type3A_71 = arith.extui %lt3A_70 : i1 to i32
      %cond3A_72 = arith.constant 0 : i32
      %cond3A_73 = arith.cmpi ne, %convert_element_type3A_71, %cond3A_72 : i32
      scf.if %cond3A_73 {
        %dma_wait3A_140 = arith.constant 0 : i32
        %dma_wait3A_141 = tpu.memref_slice %arg4[%mul3A_2, %dma_wait3A_140] : memref<819200x128xf32, #tpu.memory_space<hbm>> -> memref<128x128xf32, #tpu.memory_space<hbm>>
        %dma_wait3A_142 = arith.constant 0 : i32
        %dma_wait3A_143 = tpu.memref_slice %arg4[%mul3A_2, %dma_wait3A_142] : memref<819200x128xf32, #tpu.memory_space<hbm>> -> memref<128x128xf32, #tpu.memory_space<hbm>>
        tpu.wait_dma2 semaphore(%arg14 : memref<!tpu.dma_semaphore, #tpu.memory_space<semaphore_mem>>) src(%arg8 : memref<128x128xf32, #tpu.memory_space<vmem>>) dst(%dma_wait3A_143 : memref<128x128xf32, #tpu.memory_space<hbm>>)
        %add3A_144 = arith.constant 4 : i32
        %add3A_145 = arith.addi %add3A_56, %add3A_144 : i32
        %dma_start3A_146 = arith.constant 0 : i32
        %dma_start3A_147 = tpu.memref_slice %arg6[%add3A_145, %dma_start3A_146] : memref<200x128xi32, #tpu.memory_space<vmem>> -> memref<1x128xi32, #tpu.memory_space<vmem>>
        %dma_start3A_148 = tpu.memref_squeeze %dma_start3A_147 : memref<1x128xi32, #tpu.memory_space<vmem>> -> memref<128xi32, #tpu.memory_space<vmem>>
        %dma_start3A_149 = arith.constant 0 : i32
        %dma_start3A_150 = arith.constant 0 : i32
        %dma_start3A_151 = tpu.memref_slice %arg5[%dma_start3A_149, %dma_start3A_150] : memref<64x128xf32, #tpu.memory_space<vmem_shared>> -> memref<64x128xf32, #tpu.memory_space<vmem_shared>>
        tpu.enqueue_indirect_dma source(%dma_start3A_151 : memref<64x128xf32, #tpu.memory_space<vmem_shared>>) target(%arg8 : memref<128x128xf32, #tpu.memory_space<vmem>>) offsets(%dma_start3A_148 : memref<128xi32, #tpu.memory_space<vmem>>) semaphore(%arg13 : memref<!tpu.dma_semaphore, #tpu.memory_space<semaphore_mem>>)
      } else {
      }
      %mul3A_74 = arith.constant 4 : i32
      %mul3A_75 = arith.muli %scan3A_52, %mul3A_74 : i32
      %add3A_76 = arith.constant 1 : i32
      %add3A_77 = arith.addi %mul3A_75, %add3A_76 : i32
      %dma_wait3A_78 = arith.constant 0 : i32
      %dma_wait3A_79 = tpu.memref_slice %arg6[%add3A_77, %dma_wait3A_78] : memref<200x128xi32, #tpu.memory_space<vmem>> -> memref<1x128xi32, #tpu.memory_space<vmem>>
      %dma_wait3A_80 = tpu.memref_squeeze %dma_wait3A_79 : memref<1x128xi32, #tpu.memory_space<vmem>> -> memref<128xi32, #tpu.memory_space<vmem>>
      %dma_wait3A_81 = arith.constant 0 : i32
      %dma_wait3A_82 = arith.constant 0 : i32
      %dma_wait3A_83 = tpu.memref_slice %arg5[%dma_wait3A_81, %dma_wait3A_82] : memref<64x128xf32, #tpu.memory_space<vmem_shared>> -> memref<64x128xf32, #tpu.memory_space<vmem_shared>>
      tpu.wait_indirect_dma semaphore(%arg13 : memref<!tpu.dma_semaphore, #tpu.memory_space<semaphore_mem>>) src(%dma_wait3A_83 : memref<64x128xf32, #tpu.memory_space<vmem_shared>>) dst(%arg9 : memref<128x128xf32, #tpu.memory_space<vmem>>)
      %mul3A_84 = arith.constant 128 : i32
      %mul3A_85 = arith.muli %add3A_77, %mul3A_84 : i32
      %add3A_86 = arith.addi %mul3A_2, %mul3A_85 : i32
      %dma_start3A_87 = arith.constant 0 : i32
      %dma_start3A_88 = tpu.memref_slice %arg4[%add3A_86, %dma_start3A_87] : memref<819200x128xf32, #tpu.memory_space<hbm>> -> memref<128x128xf32, #tpu.memory_space<hbm>>
      %dma_start3A_89 = arith.constant 0 : i32
      %dma_start3A_90 = tpu.memref_slice %arg4[%add3A_86, %dma_start3A_89] : memref<819200x128xf32, #tpu.memory_space<hbm>> -> memref<128x128xf32, #tpu.memory_space<hbm>>
      tpu.enqueue_dma source(%arg9 : memref<128x128xf32, #tpu.memory_space<vmem>>) target(%dma_start3A_90 : memref<128x128xf32, #tpu.memory_space<hbm>>) target_semaphore(%arg14 : memref<!tpu.dma_semaphore, #tpu.memory_space<semaphore_mem>>)
      %lt3A_91 = arith.constant 49 : i32
      %lt3A_92 = arith.cmpi slt, %scan3A_52, %lt3A_91 : i32
      %convert_element_type3A_93 = arith.extui %lt3A_92 : i1 to i32
      %cond3A_94 = arith.constant 0 : i32
      %cond3A_95 = arith.cmpi ne, %convert_element_type3A_93, %cond3A_94 : i32
      scf.if %cond3A_95 {
        %dma_wait3A_140 = arith.constant 0 : i32
        %dma_wait3A_141 = tpu.memref_slice %arg4[%mul3A_2, %dma_wait3A_140] : memref<819200x128xf32, #tpu.memory_space<hbm>> -> memref<128x128xf32, #tpu.memory_space<hbm>>
        %dma_wait3A_142 = arith.constant 0 : i32
        %dma_wait3A_143 = tpu.memref_slice %arg4[%mul3A_2, %dma_wait3A_142] : memref<819200x128xf32, #tpu.memory_space<hbm>> -> memref<128x128xf32, #tpu.memory_space<hbm>>
        tpu.wait_dma2 semaphore(%arg14 : memref<!tpu.dma_semaphore, #tpu.memory_space<semaphore_mem>>) src(%arg9 : memref<128x128xf32, #tpu.memory_space<vmem>>) dst(%dma_wait3A_143 : memref<128x128xf32, #tpu.memory_space<hbm>>)
        %add3A_144 = arith.constant 4 : i32
        %add3A_145 = arith.addi %add3A_77, %add3A_144 : i32
        %dma_start3A_146 = arith.constant 0 : i32
        %dma_start3A_147 = tpu.memref_slice %arg6[%add3A_145, %dma_start3A_146] : memref<200x128xi32, #tpu.memory_space<vmem>> -> memref<1x128xi32, #tpu.memory_space<vmem>>
        %dma_start3A_148 = tpu.memref_squeeze %dma_start3A_147 : memref<1x128xi32, #tpu.memory_space<vmem>> -> memref<128xi32, #tpu.memory_space<vmem>>
        %dma_start3A_149 = arith.constant 0 : i32
        %dma_start3A_150 = arith.constant 0 : i32
        %dma_start3A_151 = tpu.memref_slice %arg5[%dma_start3A_149, %dma_start3A_150] : memref<64x128xf32, #tpu.memory_space<vmem_shared>> -> memref<64x128xf32, #tpu.memory_space<vmem_shared>>
        tpu.enqueue_indirect_dma source(%dma_start3A_151 : memref<64x128xf32, #tpu.memory_space<vmem_shared>>) target(%arg9 : memref<128x128xf32, #tpu.memory_space<vmem>>) offsets(%dma_start3A_148 : memref<128xi32, #tpu.memory_space<vmem>>) semaphore(%arg13 : memref<!tpu.dma_semaphore, #tpu.memory_space<semaphore_mem>>)
      } else {
      }
      %mul3A_96 = arith.constant 4 : i32
      %mul3A_97 = arith.muli %scan3A_52, %mul3A_96 : i32
      %add3A_98 = arith.constant 2 : i32
      %add3A_99 = arith.addi %mul3A_97, %add3A_98 : i32
      %dma_wait3A_100 = arith.constant 0 : i32
      %dma_wait3A_101 = tpu.memref_slice %arg6[%add3A_99, %dma_wait3A_100] : memref<200x128xi32, #tpu.memory_space<vmem>> -> memref<1x128xi32, #tpu.memory_space<vmem>>
      %dma_wait3A_102 = tpu.memref_squeeze %dma_wait3A_101 : memref<1x128xi32, #tpu.memory_space<vmem>> -> memref<128xi32, #tpu.memory_space<vmem>>
      %dma_wait3A_103 = arith.constant 0 : i32
      %dma_wait3A_104 = arith.constant 0 : i32
      %dma_wait3A_105 = tpu.memref_slice %arg5[%dma_wait3A_103, %dma_wait3A_104] : memref<64x128xf32, #tpu.memory_space<vmem_shared>> -> memref<64x128xf32, #tpu.memory_space<vmem_shared>>
      tpu.wait_indirect_dma semaphore(%arg13 : memref<!tpu.dma_semaphore, #tpu.memory_space<semaphore_mem>>) src(%dma_wait3A_105 : memref<64x128xf32, #tpu.memory_space<vmem_shared>>) dst(%arg10 : memref<128x128xf32, #tpu.memory_space<vmem>>)
      %mul3A_106 = arith.constant 128 : i32
      %mul3A_107 = arith.muli %add3A_99, %mul3A_106 : i32
      %add3A_108 = arith.addi %mul3A_2, %mul3A_107 : i32
      %dma_start3A_109 = arith.constant 0 : i32
      %dma_start3A_110 = tpu.memref_slice %arg4[%add3A_108, %dma_start3A_109] : memref<819200x128xf32, #tpu.memory_space<hbm>> -> memref<128x128xf32, #tpu.memory_space<hbm>>
      %dma_start3A_111 = arith.constant 0 : i32
      %dma_start3A_112 = tpu.memref_slice %arg4[%add3A_108, %dma_start3A_111] : memref<819200x128xf32, #tpu.memory_space<hbm>> -> memref<128x128xf32, #tpu.memory_space<hbm>>
      tpu.enqueue_dma source(%arg10 : memref<128x128xf32, #tpu.memory_space<vmem>>) target(%dma_start3A_112 : memref<128x128xf32, #tpu.memory_space<hbm>>) target_semaphore(%arg14 : memref<!tpu.dma_semaphore, #tpu.memory_space<semaphore_mem>>)
      %lt3A_113 = arith.constant 49 : i32
      %lt3A_114 = arith.cmpi slt, %scan3A_52, %lt3A_113 : i32
      %convert_element_type3A_115 = arith.extui %lt3A_114 : i1 to i32
      %cond3A_116 = arith.constant 0 : i32
      %cond3A_117 = arith.cmpi ne, %convert_element_type3A_115, %cond3A_116 : i32
      scf.if %cond3A_117 {
        %dma_wait3A_140 = arith.constant 0 : i32
        %dma_wait3A_141 = tpu.memref_slice %arg4[%mul3A_2, %dma_wait3A_140] : memref<819200x128xf32, #tpu.memory_space<hbm>> -> memref<128x128xf32, #tpu.memory_space<hbm>>
        %dma_wait3A_142 = arith.constant 0 : i32
        %dma_wait3A_143 = tpu.memref_slice %arg4[%mul3A_2, %dma_wait3A_142] : memref<819200x128xf32, #tpu.memory_space<hbm>> -> memref<128x128xf32, #tpu.memory_space<hbm>>
        tpu.wait_dma2 semaphore(%arg14 : memref<!tpu.dma_semaphore, #tpu.memory_space<semaphore_mem>>) src(%arg10 : memref<128x128xf32, #tpu.memory_space<vmem>>) dst(%dma_wait3A_143 : memref<128x128xf32, #tpu.memory_space<hbm>>)
        %add3A_144 = arith.constant 4 : i32
        %add3A_145 = arith.addi %add3A_99, %add3A_144 : i32
        %dma_start3A_146 = arith.constant 0 : i32
        %dma_start3A_147 = tpu.memref_slice %arg6[%add3A_145, %dma_start3A_146] : memref<200x128xi32, #tpu.memory_space<vmem>> -> memref<1x128xi32, #tpu.memory_space<vmem>>
        %dma_start3A_148 = tpu.memref_squeeze %dma_start3A_147 : memref<1x128xi32, #tpu.memory_space<vmem>> -> memref<128xi32, #tpu.memory_space<vmem>>
        %dma_start3A_149 = arith.constant 0 : i32
        %dma_start3A_150 = arith.constant 0 : i32
        %dma_start3A_151 = tpu.memref_slice %arg5[%dma_start3A_149, %dma_start3A_150] : memref<64x128xf32, #tpu.memory_space<vmem_shared>> -> memref<64x128xf32, #tpu.memory_space<vmem_shared>>
        tpu.enqueue_indirect_dma source(%dma_start3A_151 : memref<64x128xf32, #tpu.memory_space<vmem_shared>>) target(%arg10 : memref<128x128xf32, #tpu.memory_space<vmem>>) offsets(%dma_start3A_148 : memref<128xi32, #tpu.memory_space<vmem>>) semaphore(%arg13 : memref<!tpu.dma_semaphore, #tpu.memory_space<semaphore_mem>>)
      } else {
      }
      %mul3A_118 = arith.constant 4 : i32
      %mul3A_119 = arith.muli %scan3A_52, %mul3A_118 : i32
      %add3A_120 = arith.constant 3 : i32
      %add3A_121 = arith.addi %mul3A_119, %add3A_120 : i32
      %dma_wait3A_122 = arith.constant 0 : i32
      %dma_wait3A_123 = tpu.memref_slice %arg6[%add3A_121, %dma_wait3A_122] : memref<200x128xi32, #tpu.memory_space<vmem>> -> memref<1x128xi32, #tpu.memory_space<vmem>>
      %dma_wait3A_124 = tpu.memref_squeeze %dma_wait3A_123 : memref<1x128xi32, #tpu.memory_space<vmem>> -> memref<128xi32, #tpu.memory_space<vmem>>
      %dma_wait3A_125 = arith.constant 0 : i32
      %dma_wait3A_126 = arith.constant 0 : i32
      %dma_wait3A_127 = tpu.memref_slice %arg5[%dma_wait3A_125, %dma_wait3A_126] : memref<64x128xf32, #tpu.memory_space<vmem_shared>> -> memref<64x128xf32, #tpu.memory_space<vmem_shared>>
      tpu.wait_indirect_dma semaphore(%arg13 : memref<!tpu.dma_semaphore, #tpu.memory_space<semaphore_mem>>) src(%dma_wait3A_127 : memref<64x128xf32, #tpu.memory_space<vmem_shared>>) dst(%arg11 : memref<128x128xf32, #tpu.memory_space<vmem>>)
      %mul3A_128 = arith.constant 128 : i32
      %mul3A_129 = arith.muli %add3A_121, %mul3A_128 : i32
      %add3A_130 = arith.addi %mul3A_2, %mul3A_129 : i32
      %dma_start3A_131 = arith.constant 0 : i32
      %dma_start3A_132 = tpu.memref_slice %arg4[%add3A_130, %dma_start3A_131] : memref<819200x128xf32, #tpu.memory_space<hbm>> -> memref<128x128xf32, #tpu.memory_space<hbm>>
      %dma_start3A_133 = arith.constant 0 : i32
      %dma_start3A_134 = tpu.memref_slice %arg4[%add3A_130, %dma_start3A_133] : memref<819200x128xf32, #tpu.memory_space<hbm>> -> memref<128x128xf32, #tpu.memory_space<hbm>>
      tpu.enqueue_dma source(%arg11 : memref<128x128xf32, #tpu.memory_space<vmem>>) target(%dma_start3A_134 : memref<128x128xf32, #tpu.memory_space<hbm>>) target_semaphore(%arg14 : memref<!tpu.dma_semaphore, #tpu.memory_space<semaphore_mem>>)
      %lt3A_135 = arith.constant 49 : i32
      %lt3A_136 = arith.cmpi slt, %scan3A_52, %lt3A_135 : i32
      %convert_element_type3A_137 = arith.extui %lt3A_136 : i1 to i32
      %cond3A_138 = arith.constant 0 : i32
      %cond3A_139 = arith.cmpi ne, %convert_element_type3A_137, %cond3A_138 : i32
      scf.if %cond3A_139 {
        %dma_wait3A_140 = arith.constant 0 : i32
        %dma_wait3A_141 = tpu.memref_slice %arg4[%mul3A_2, %dma_wait3A_140] : memref<819200x128xf32, #tpu.memory_space<hbm>> -> memref<128x128xf32, #tpu.memory_space<hbm>>
        %dma_wait3A_142 = arith.constant 0 : i32
        %dma_wait3A_143 = tpu.memref_slice %arg4[%mul3A_2, %dma_wait3A_142] : memref<819200x128xf32, #tpu.memory_space<hbm>> -> memref<128x128xf32, #tpu.memory_space<hbm>>
        tpu.wait_dma2 semaphore(%arg14 : memref<!tpu.dma_semaphore, #tpu.memory_space<semaphore_mem>>) src(%arg11 : memref<128x128xf32, #tpu.memory_space<vmem>>) dst(%dma_wait3A_143 : memref<128x128xf32, #tpu.memory_space<hbm>>)
        %add3A_144 = arith.constant 4 : i32
        %add3A_145 = arith.addi %add3A_121, %add3A_144 : i32
        %dma_start3A_146 = arith.constant 0 : i32
        %dma_start3A_147 = tpu.memref_slice %arg6[%add3A_145, %dma_start3A_146] : memref<200x128xi32, #tpu.memory_space<vmem>> -> memref<1x128xi32, #tpu.memory_space<vmem>>
        %dma_start3A_148 = tpu.memref_squeeze %dma_start3A_147 : memref<1x128xi32, #tpu.memory_space<vmem>> -> memref<128xi32, #tpu.memory_space<vmem>>
        %dma_start3A_149 = arith.constant 0 : i32
        %dma_start3A_150 = arith.constant 0 : i32
        %dma_start3A_151 = tpu.memref_slice %arg5[%dma_start3A_149, %dma_start3A_150] : memref<64x128xf32, #tpu.memory_space<vmem_shared>> -> memref<64x128xf32, #tpu.memory_space<vmem_shared>>
        tpu.enqueue_indirect_dma source(%dma_start3A_151 : memref<64x128xf32, #tpu.memory_space<vmem_shared>>) target(%arg11 : memref<128x128xf32, #tpu.memory_space<vmem>>) offsets(%dma_start3A_148 : memref<128xi32, #tpu.memory_space<vmem>>) semaphore(%arg13 : memref<!tpu.dma_semaphore, #tpu.memory_space<semaphore_mem>>)
      } else {
      }
    }
    %scan3A_36 = arith.constant 50 : i32
    %dma_wait3A = arith.constant 0 : i32
    %dma_wait3A_37 = tpu.memref_slice %arg4[%mul3A_2, %dma_wait3A] : memref<819200x128xf32, #tpu.memory_space<hbm>> -> memref<128x128xf32, #tpu.memory_space<hbm>>
    %dma_wait3A_38 = arith.constant 0 : i32
    %dma_wait3A_39 = tpu.memref_slice %arg4[%mul3A_2, %dma_wait3A_38] : memref<819200x128xf32, #tpu.memory_space<hbm>> -> memref<128x128xf32, #tpu.memory_space<hbm>>
    tpu.wait_dma2 semaphore(%arg14 : memref<!tpu.dma_semaphore, #tpu.memory_space<semaphore_mem>>) src(%arg8 : memref<128x128xf32, #tpu.memory_space<vmem>>) dst(%dma_wait3A_39 : memref<128x128xf32, #tpu.memory_space<hbm>>)
    %dma_wait3A_40 = arith.constant 0 : i32
    %dma_wait3A_41 = tpu.memref_slice %arg4[%mul3A_2, %dma_wait3A_40] : memref<819200x128xf32, #tpu.memory_space<hbm>> -> memref<128x128xf32, #tpu.memory_space<hbm>>
    %dma_wait3A_42 = arith.constant 0 : i32
    %dma_wait3A_43 = tpu.memref_slice %arg4[%mul3A_2, %dma_wait3A_42] : memref<819200x128xf32, #tpu.memory_space<hbm>> -> memref<128x128xf32, #tpu.memory_space<hbm>>
    tpu.wait_dma2 semaphore(%arg14 : memref<!tpu.dma_semaphore, #tpu.memory_space<semaphore_mem>>) src(%arg9 : memref<128x128xf32, #tpu.memory_space<vmem>>) dst(%dma_wait3A_43 : memref<128x128xf32, #tpu.memory_space<hbm>>)
    %dma_wait3A_44 = arith.constant 0 : i32
    %dma_wait3A_45 = tpu.memref_slice %arg4[%mul3A_2, %dma_wait3A_44] : memref<819200x128xf32, #tpu.memory_space<hbm>> -> memref<128x128xf32, #tpu.memory_space<hbm>>
    %dma_wait3A_46 = arith.constant 0 : i32
    %dma_wait3A_47 = tpu.memref_slice %arg4[%mul3A_2, %dma_wait3A_46] : memref<819200x128xf32, #tpu.memory_space<hbm>> -> memref<128x128xf32, #tpu.memory_space<hbm>>
    tpu.wait_dma2 semaphore(%arg14 : memref<!tpu.dma_semaphore, #tpu.memory_space<semaphore_mem>>) src(%arg10 : memref<128x128xf32, #tpu.memory_space<vmem>>) dst(%dma_wait3A_47 : memref<128x128xf32, #tpu.memory_space<hbm>>)
    %dma_wait3A_48 = arith.constant 0 : i32
    %dma_wait3A_49 = tpu.memref_slice %arg4[%mul3A_2, %dma_wait3A_48] : memref<819200x128xf32, #tpu.memory_space<hbm>> -> memref<128x128xf32, #tpu.memory_space<hbm>>
    %dma_wait3A_50 = arith.constant 0 : i32
    %dma_wait3A_51 = tpu.memref_slice %arg4[%mul3A_2, %dma_wait3A_50] : memref<819200x128xf32, #tpu.memory_space<hbm>> -> memref<128x128xf32, #tpu.memory_space<hbm>>
    tpu.wait_dma2 semaphore(%arg14 : memref<!tpu.dma_semaphore, #tpu.memory_space<semaphore_mem>>) src(%arg11 : memref<128x128xf32, #tpu.memory_space<vmem>>) dst(%dma_wait3A_51 : memref<128x128xf32, #tpu.memory_space<hbm>>)
    return
  }
}

</mosaic_0001>

<sc_bundles>
// kernel: kernel.3.cloned.1.call-start
scs
__scs_entry_jumppad:
0x0: {  	(pc) =	sbr.rel $0x88, $3  }
0x1: {  	(tag) =	ssettag $0x0;
	lr =	simm.s32 $0x1  }
0x2: {  	[smem:$0x3F9F] =	sst lr;
	_ =	strace $0xD0000000  }
0x3: {  	_ = 	snop  }
0x4: {  	_ = 	snop  }
0x5: {  	_ = 	snop  }
0x6: {  	_ = 	snop  }
0x7: {  	_ = 	snop  }
__scs_overlays_trampoline_lowered:
0x8: {  	[smem:$0x3FAE] =	sst s0  }
0x9: {  	[smem:$0x3FAF] =	sst s1  }
0xa: {  	[smem:$0x3FB0] =	sst s2  }
0xb: {  	[smem:$0x3FB1] =	sst s3  }
0xc: {  	[smem:$0x3FB2] =	sst s4  }
0xd: {  	[smem:$0x3FB3] =	sst s5  }
0xe: {  	[smem:$0x3FB4] =	sst s6  }
0xf: {  	[smem:$0x3FB5] =	sst s7  }
0x10: {  	[smem:$0x3FB6] =	sst s8  }
0x11: {  	[smem:$0x3FB7] =	sst s9;
	s0 =	simm.s32 @!p0 $0x0  }
0x12: {  	s1 =	sld [smem:$0x3F9D];
	s0 =	simm.s32 @p0 $0x1  }
0x13: {  	[smem:$0x3FB8] =	sst s0;
	s0 =	simm.s32 @!p1 $0x0  }
0x14: {  	s2 =	sld [smem:$0x3F9C];
	s0 =	simm.s32 @p1 $0x1  }
0x15: {  	[smem:$0x3FB9] =	sst s0;
	s0 =	simm.s32 @!p2 $0x0  }
0x16: {  	s3 =	sld [smem:$0x3FDB];
	s0 =	simm.s32 @p2 $0x1  }
0x17: {  	s4 =	simm.s32 $0x1BF5;
	[smem:$0x3FBB] =	sst s0  }
0x18: {  	s0 =	sld [smem:$0x3F9E];
	_ =	swait.ge [sflag:s4], $0x0  }
0x19: {  	s7 =	sld [smem:$0x3F9F]  }
0x1a: {  	s8 =	sadd.s32 $0xFFFFE003, lr  }
0x1b: {  	s9 =	sadd.s32 $0xFFFFFEF7, lr;
	s5 =	simm.s32 $0xFFFFFFFF;
	p2 =	slt.u32 s8, $0xFFFFF086  }
0x1c: {  	p1 =	slt.u32 s9, $0xF7A;
	s5 =	simm.s32 @!p2 $0x0  }
0x1d: {  	s5 =	simm.s32 @p1 $0x1;
	p0 =	seq.s32 s7, s2  }
0x1e: {  	s7 =	smul.u32 @!p0 $0xF7A, s2;
	p2 =	seq.s32 @!p0 s5, $0x0  }
0x1f: {  	s9 =	smul.u32 $0xF7A, s1;
	s8 =	simm.s32 @!p0 $0x1BF5;
	p2 =	por !p2, p0  }
0x20: {  	[sflag:s8] =	ssyncset.s32 @!p0 $0xFFFFF086;
	s6 =	sadd.s32 @!p0 s3, s7;
	s7 =	simm.s32 @!p0 $0x108  }
0x21: {  	s3 =	sadd.s32 s3, s9;
	s6 =	sadd.s32 @!p0 $0x88, s6;
	s7 =	simm.s32 @p2 $0x1082  }
0x22: {  	[simem:s7], [sflag:s8] =	dma.local @!p0 [hbm:s6], $0xF7A  }
0x23: {  	s9 =	sor.u32 $0xD0000000, s2;
	s6 =	simm.s32 $0x108;
	_ =	swait.ge @!p0 [sflag:s8], $0x0  }
0x24: {  	s3 =	sadd.s32 $0x88, s3;
	s6 =	simm.s32 @!p1 $0x1082;
	[sflag:s4] =	ssyncset.s32 $0xFFFFF086  }
0x25: {  	[simem:s6], [sflag:s4] =	dma.local [hbm:s3], $0xF7A  }
0x26: {  	[smem:$0x3F9F] =	sst s1;
	(tag) =	ssettag s2;
	_ =	strace s9  }
0x27: {  	s1 =	sld [smem:$0x3FAF]  }
0x28: {  	s2 =	sld [smem:$0x3FB0]  }
0x29: {  	s4 =	sld [smem:$0x3FB2]  }
0x2a: {  	p0 =	seq.s32 s5, $0x0;
	s5 =	sld [smem:$0x3FB3]  }
0x2b: {  	s6 =	sld [smem:$0x3FB4]  }
0x2c: {  	s7 =	sld [smem:$0x3FB5]  }
0x2d: {  	s3 =	simm.s32 $0x108;
	s8 =	sld [smem:$0x3FB6]  }
0x2e: {  	s3 =	simm.s32 @!p0 $0x1082;
	s9 =	sld [smem:$0x3FB7]  }
0x2f: {  	lr =	sadd.s32 s0, s3;
	s0 =	sld [smem:$0x3FAE]  }
0x30: {  	s3 =	sld [smem:$0x3FB1]  }
0x31: {  	[smem:$0x3FBA] =	sst s10  }
0x32: {  	s10 =	sld [smem:$0x3FB8];
	_ =	sdelay $0x3  }
0x33: {  	p0 =	seq.s32 s10, $0x1;
	s10 =	sld [smem:$0x3FBA];
	_ =	sdelay $0x3  }
0x34: {  	[smem:$0x3FBA] =	sst s10  }
0x35: {  	s10 =	sld [smem:$0x3FB9];
	_ =	sdelay $0x3  }
0x36: {  	p1 =	seq.s32 s10, $0x1;
	s10 =	sld [smem:$0x3FBA];
	_ =	sdelay $0x3  }
0x37: {  	[smem:$0x3FBA] =	sst s10  }
0x38: {  	s10 =	sld [smem:$0x3FBB]  }
0x39: {  	_ = 	snop;
	(pc) =	sbr.ind lr, $3  }
0x3a: {  	_ = 	snop  }
0x3b: {  	_ = 	snop  }
0x3c: {  	p2 =	seq.s32 s10, $0x1;
	s10 =	sld [smem:$0x3FBA]  }
0x3d: {  	_ =	shalt  }
0x3e: {  	_ =	shalt  }
0x3f: {  	_ =	shalt  }
0x40: {  	_ =	shalt  }
0x41: {  	_ =	shalt  }
0x42: {  	_ =	shalt  }
0x43: {  	_ =	shalt  }
0x44: {  	_ =	shalt  }
0x45: {  	_ =	shalt  }
0x46: {  	_ =	shalt  }
0x47: {  	_ =	shalt  }
0x48: {  	_ =	shalt  }
0x49: {  	_ =	shalt  }
0x4a: {  	_ =	shalt  }
0x4b: {  	_ =	shalt  }
0x4c: {  	_ =	shalt  }
0x4d: {  	_ =	shalt  }
0x4e: {  	_ =	shalt  }
0x4f: {  	_ =	shalt  }
0x50: {  	_ =	shalt  }
0x51: {  	_ =	shalt  }
0x52: {  	_ =	shalt  }
0x53: {  	_ =	shalt  }
0x54: {  	_ =	shalt  }
0x55: {  	_ =	shalt  }
0x56: {  	_ =	shalt  }
0x57: {  	_ =	shalt  }
0x58: {  	_ =	shalt  }
0x59: {  	_ =	shalt  }
0x5a: {  	_ =	shalt  }
0x5b: {  	_ =	shalt  }
0x5c: {  	_ =	shalt  }
0x5d: {  	_ =	shalt  }
0x5e: {  	_ =	shalt  }
0x5f: {  	_ =	shalt  }
0x60: {  	_ =	shalt  }
0x61: {  	_ =	shalt  }
0x62: {  	_ =	shalt  }
0x63: {  	_ =	shalt  }
0x64: {  	_ =	shalt  }
0x65: {  	_ =	shalt  }
0x66: {  	_ =	shalt  }
0x67: {  	_ =	shalt  }
0x68: {  	_ =	shalt  }
0x69: {  	_ =	shalt  }
0x6a: {  	_ =	shalt  }
0x6b: {  	_ =	shalt  }
0x6c: {  	_ =	shalt  }
0x6d: {  	_ =	shalt  }
0x6e: {  	_ =	shalt  }
0x6f: {  	_ =	shalt  }
0x70: {  	_ =	shalt  }
0x71: {  	_ =	shalt  }
0x72: {  	_ =	shalt  }
0x73: {  	_ =	shalt  }
0x74: {  	_ =	shalt  }
0x75: {  	_ =	shalt  }
0x76: {  	_ =	shalt  }
0x77: {  	_ =	shalt  }
0x78: {  	_ =	shalt  }
0x79: {  	_ =	shalt  }
0x7a: {  	_ =	shalt  }
0x7b: {  	_ =	shalt  }
0x7c: {  	_ =	shalt  }
0x7d: {  	_ =	shalt  }
0x7e: {  	_ =	shalt  }
0x7f: {  	_ =	shalt  }
0x80: {  	_ =	shalt  }
0x81: {  	_ =	shalt  }
0x82: {  	_ =	shalt  }
0x83: {  	_ =	shalt  }
0x84: {  	_ =	shalt  }
0x85: {  	_ =	shalt  }
0x86: {  	_ =	shalt  }
0x87: {  	_ =	shalt  }
.Lfunc_end0:
.L_simem_size_0:
called_computation.1_lowered:
.L_overlay_start_0:
0x88: {  	s2 =	sld [smem:$0x3FD9]  }
0x89: {  	s3 =	sld [smem:$0x3FFE];
	_ =	sdelay $0x1  }
0x8a: {  	s1 =	srdreg.scid  }
0x8b: {  	s0 =	sand.u32 $0x1, s1  }
0x8c: {  	s17 =	sshll.u32 s0, $0xA;
	s2 =	sadd.s32 s3, s2  }
0x8d: {  	s2 =	sadd.s32 s2, s17  }
0x8e: {  	[smem:$0x3FC6] =	sst s2  }
0x8f: {  	_ = 	snop  }
0x90: {  	s2 =	sld [smem:$0x3FC8]  }
0x91: {  	s18 =	sld [smem:$0x3FD0];
	(tm) =	ssettm $0x1  }
0x92: {  	s4 =	sld [smem:$0x3FFB];
	_ =	sdelay $0x3  }
0x93: {  	_ =	strace s4  }
0x94: {  	s4 =	sld [smem:$0x3FFC];
	_ =	sdelay $0x3  }
0x95: {  	_ =	strace s4  }
0x96: {  	s4 =	sld [smem:$0x3FFD];
	_ =	sdelay $0x3  }
0x97: {  	_ =	strace s4  }
0x98: {  	_ =	strace $0x8FFFFFFF  }
0x99: {  	s19 =	sld [smem:$0x3FDB];
	_ =	sdelay $0x1  }
0x9a: {  	s5 =	simm.s32 $_scs_section_size  }
0x9b: {  	s6 =	simm.s32 $_size__tile_overlayer_lowered;
	s7 =	simm.s32 $_tile_overlayer_lowered  }
0x9c: {  	s22 =	simm.s32 $0x1BFF;
	s21 =	sshll.u32 s7, $0x1;
	s4 =	sadd.s32 s5, s19  }
0x9d: {  	s8 =	simm.s32 $0x0;
	s20 =	sshll.u32 s6, $0x1;
	s6 =	sadd.s32 s21, s4  }
0x9e: {  	[timem:s8], [sflag:s22] =	dma.local [hbm:s6], s20  }
0x9f: {  	_ =	swait.ge [sflag:s22], s20  }
0xa0: {  	s5 =	ssub.s32 $0x0, s20;
	[sflag:s22] =	ssyncset.done $0x0  }
0xa1: {  	[sflag:s22] =	ssyncadd.s32 s5;
	_ =	sdelay $0x1  }
0xa2: {  	s23 =	simm.s32 $0x1B8B  }
0xa3: {  	_ =	swait.ge [sflag:s23], $0x1  }
0xa4: {  	[sflag:s23] =	ssyncset.done $0x0  }
0xa5: {  	s25 =	simm.s32 $0x1B8E;
	s24 =	sld [smem:$0x3FFE];
	[sflag:s23] =	ssyncadd.s32 $0xFFFFFFFF  }
0xa6: {  	s26 =	simm.s32 $execute0_lowered;
	[smem:$0x3FD2] =	sst s25  }
0xa7: {  	s6 =	sshll.u32 s26, $0x1;
	_ =	strace $0x80000046;
	[dreg:$0x1] =	wrdreg $0xFFFFFFFF  }
0xa8: {  	s28 =	simm.s32 $_size_execute0_lowered;
	s4 =	sadd.s32 s4, s6;
	[dreg:$0x0] =	wrdreg $0x0  }
0xa9: {  	s6 =	sshll.u32 s28, $0x1;
	[dreg:$0x2] =	wrdreg s4  }
0xaa: {  	[dreg:$0x3] =	wrdreg s6  }
0xab: {  	[dreg:$0x4] =	wrdreg $0xC0  }
0xac: {  	_ =	task [dreg:s8], $0x5FFFF  }
0xad: {  	[dreg:$0x1] =	wrdreg $0xFFFFFFFF  }
0xae: {  	[dreg:$0x0] =	wrdreg $0x60  }
0xaf: {  	[dreg:$0x2] =	wrdreg s18  }
0xb0: {  	[dreg:$0x3] =	wrdreg s2  }
0xb1: {  	[dreg:$0x4] =	wrdreg s24  }
0xb2: {  	[dreg:$0x5] =	wrdreg $0x0  }
0xb3: {  	[dreg:$0x6] =	wrdreg $0x9  }
0xb4: {  	_ =	task.clear_ibuf [dreg:s8], $0x7FFFF;
	_ =	strace $0x90000046  }
0xb5: {  	s29 =	simm.s32 $0x9;
	_ =	strace $0x80000048  }
0xb6: {  	_ =	swait.ge [sflag:s29], $0x1  }
0xb7: {  	[sflag:s29] =	ssyncadd.s32 $0xFFFFFFFF  }
0xb8: {  	_ =	strace $0x90000048  }
0xb9: {  	_ =	sfence  }
0xba: {  	s30 =	sld [smem:$0x0];
	_ =	sdelay $0x2  }
0xbb: {  	s31 =	sshll.u32 s1, $0xD;
	s1 =	sshrl.u32 s1, $0x2  }
0xbc: {  	s3 =	sand.u32 $0x4000, s31;
	s1 =	sadd.s32 s1, s30  }
0xbd: {  	s0 =	sor.u32 s3, s0;
	s1 =	sshll.u32 s1, $0x11  }
0xbe: {  	s0 =	sor.u32 s1, s0  }
0xbf: {  	s0 =	sadd.s32 $0x8F2B, s0  }
0xc0: {  	[sflag:s0] =	ssyncadd.remote.s32 $0x1  }
0xc1: {  	_ =	sfence.sel $0xFFFF  }
0xc2: {  	[dreg:$0x0] =	wrdreg $0xFFFFFFFF;
	(pc) =	sbr.abs _section_cstart, $3  }
0xc3: {  	[dreg:$0x1] =	wrdreg $0xFFFFFFFF  }
0xc4: {  	_ =	task.clear_ibuf [dreg:s8], $0x2FFFF;
	_ =	strace $0x9FFFFFFF  }
0xc5: {  	(tm) =	ssettm $0x7FFFFFFF  }
tec
execute0_lowered:
.L_overlay_start_1:
0x0: {  	(tag) =	ssettag $0x1  }
0x1: {  	s4 =	rddreg [dreg:$0x0];
	s1 =	srdreg.scid  }
0x2: {  	s9 =	stileid.u32;
	s5 =	rddreg [dreg:$0x2]  }
0x3: {  	s2 =	rddreg [dreg:$0x3];
	s3 =	simm.s32 $0x0;
	s14 =	simm.s32 $0x80  }
0x4: {  	s15 =	simm.s32 $0x280;
	s16 =	simm.s32 $0xC600;
	s17 =	simm.s32 $0x300  }
0x5: {  	s18 =	simm.s32 $0x10600;
	s19 =	simm.s32 $0x380;
	s20 =	simm.s32 $0x14600  }
0x6: {  	s21 =	simm.s32 $0x2;
	s22 =	simm.s32 $0x3;
	s23 =	simm.s32 $0x0  }
0x7: {  	s6 =	sand.u32 $0x1, s1;
	s25 =	sshll.u32 s9, $0x1;
	s11 =	smul.u32 $0x640000, s9  }
0x8: {  	[smem:$0x7FF] =	sst s3;
	s12 =	sadd.s32 $0x800, s5;
	s28 =	smul.u32 $0xC8000, s9  }
0x9: {  	p0 =	sne.s32 s9, $0x0;
	s9 =	simm.s32 $0x6600;
	s13 =	smul.u32 $0x320000, s6  }
0xa: {  	s7 =	sor.u32 s6, s25;
	s10 =	ssub.s32 $0x2, s6;
	s29 =	smul.u32 $0x64000, s6  }
0xb: {  	_ =	strace $0x80000047;
	s8 =	smul.u32 $0x6400, s7;
	s26 =	sshrl.u32 s10, $0x1  }
0xc: {  	s7 =	smul.u32 $0x64000, s7;
	s5 =	ssub.s32 s10, s26;
	s31 =	sadd.s32 s13, s11  }
.Ltmp0:
0xd: {  	s10 =	sadd.s32 s28, s12;
	s11 =	simm.s32 $0x8600;
	(pc) =	sbr.rel .LBB2_1-.Ltmp0, $4  }
0xe: {  	s13 =	simm.s32 $0x200;
	s8 =	sshrl.u32 s8, $0x3;
	s5 =	smax.u32 s5, $0x1  }
0xf: {  	s30 =	sadd.s32 s12, s7;
	s7 =	sshrl.u32 s31, $0x3;
	s4 =	sadd.s32 s4, s8  }
0x10: {  	s6 =	sadd.s32 $0x63000, s30;
	s8 =	sadd.s32 s29, s10;
	s7 =	sadd.s32 s7, s12  }
0x11: {  	s10 =	simm.s32 $0x4;
	s12 =	simm.s32 $0x1;
	s8 =	sadd.s32 $0x1800, s8  }
.LBB2_8:
0x12: {  	_ =	swait.ge [sflag:s22], $0x4000  }
0x13: {  	[sflag:s22] =	ssyncset.done $0x0  }
0x14: {  	s23 =	sadd.s32 $0x1, s23;
	[sflag:s22] =	ssyncadd.s32 $0xFFFFC000  }
0x15: {  	p1 =	sne.s32 s23, s5;
	_ =	swait.ge [sflag:s22], $0x4000  }
.Ltmp1:
0x16: {  	[sflag:s22] =	ssyncset.done $0x0;
	(pc) =	sbr.rel @!p1 .LBB2_9-.Ltmp1, $4  }
0x17: {  	[sflag:s22] =	ssyncadd.s32 $0xFFFFC000  }
0x18: {  	_ =	swait.ge [sflag:s22], $0x4000  }
0x19: {  	[sflag:s22] =	ssyncset.done $0x0  }
0x1a: {  	[sflag:s22] =	ssyncadd.s32 $0xFFFFC000  }
.LBB2_1:
.Ltmp2:
0x1b: {  	(pc) =	sbr.rel @p0 .LBB2_5-.Ltmp2, $1  }
0x1c: {  	_ =	sdelay $0x3  }
0x1d: {  	s24 =	simm.s32 $0x0;
	s0 =	rddreg [dreg:$0x1]  }
0x1e: {  	[tilespmem:s9], [sflag:$0x4] =	stream.linear.gather [hbm4b:s0+s24], $0x2000, $0x38;
	[tilespmem:$0x18600] =	vst v63  }
0x1f: {  	_ =	swait.ge [sflag:s10], $0x2000  }
0x20: {  	[sflag:s10] =	ssyncset.done $0x0  }
0x21: {  	s26 =	sxor.u32 $0x80, s24;
	[sflag:s10] =	ssyncadd.s32 $0xFFFFE000  }
0x22: {  	v0 =	vld [tilespmem:s26+$0x6600];
	_ =	sdelay $0x3  }
0x23: {  	s24 =	simm.s32 $0x8640  }
0x24: {  	[tilespmem:s24+$0xFFFFFFC0] =	vst v0  }
0x25: {  	[tilespmem:s24+$0x0] =	vst v0  }
0x26: {  	v0 =	vld [tilespmem:s26+$0x6610];
	_ =	sdelay $0x4  }
0x27: {  	[tilespmem:s24+$0xFFFFFFD0] =	vst v0  }
0x28: {  	[tilespmem:s24+$0x10] =	vst v0  }
0x29: {  	v0 =	vld [tilespmem:s26+$0x6620];
	_ =	sdelay $0x4  }
0x2a: {  	[tilespmem:s24+$0xFFFFFFE0] =	vst v0  }
0x2b: {  	[tilespmem:s24+$0x20] =	vst v0  }
0x2c: {  	s25 =	simm.s32 $0x80;
	v0 =	vld [tilespmem:s26+$0x6630];
	s26 =	simm.s32 $0x8640  }
.LBB2_3:
0x2d: {  	p1 =	sne.s32 s25, $0x1F80  }
0x2e: {  	s24 =	sadd.s32 $0x80, s24;
	s28 =	smov.u32 s25;
	s25 =	sadd.s32 $0x80, s25  }
0x2f: {  	_ =	sdelay $0x1  }
0x30: {  	[tilespmem:s26+$0xFFFFFFF0] =	vst v0  }
0x31: {  	s28 =	sxor.u32 $0x80, s28;
	[tilespmem:s26+$0x30] =	vst v0;
	s26 =	smov.u32 s24  }
0x32: {  	v0 =	vld [tilespmem:s28+$0x6600];
	_ =	sdelay $0x4  }
0x33: {  	[tilespmem:s24+$0xFFFFFFC0] =	vst v0  }
0x34: {  	[tilespmem:s24+$0x0] =	vst v0  }
0x35: {  	v0 =	vld [tilespmem:s28+$0x6610];
	_ =	sdelay $0x4  }
0x36: {  	[tilespmem:s24+$0xFFFFFFD0] =	vst v0  }
0x37: {  	[tilespmem:s24+$0x10] =	vst v0  }
0x38: {  	v0 =	vld [tilespmem:s28+$0x6620];
	_ =	sdelay $0x2  }
.Ltmp3:
0x39: {  	(pc) =	sbr.rel @p1 .LBB2_3-.Ltmp3, $4  }
0x3a: {  	_ = 	snop  }
0x3b: {  	[tilespmem:s24+$0xFFFFFFE0] =	vst v0  }
0x3c: {  	[tilespmem:s24+$0x20] =	vst v0  }
0x3d: {  	v0 =	vld [tilespmem:s28+$0x6630]  }
0x3e: {  	_ =	sdelay $0x3  }
0x3f: {  	[tilespmem:s26+$0xFFFFFFF0] =	vst v0  }
0x40: {  	[tilespmem:s26+$0x30] =	vst v0  }
0x41: {  	[spmem:s2] =	stream.linear.scatter [tilespmem:s11], [sflag:$0x1], $0x2000, $0x38;
	[tilespmem:$0x18600] =	vst v63  }
0x42: {  	_ =	swait.ge [sflag:s12], $0x2000  }
0x43: {  	[sflag:s12] =	ssyncset.done $0x0  }
0x44: {  	[sflag:s12] =	ssyncadd.s32 $0xFFFFE000  }
.LBB2_5:
0x45: {  	s24 =	simm.s32 $0x0  }
0x46: {  	[tilespmem:s13], [sflag:$0x4] =	stream.linear.gather [hbm4b:s4+s24], $0x6400, $0x38;
	[tilespmem:$0x18600] =	vst v63  }
0x47: {  	_ =	swait.ge [sflag:s10], $0x6400  }
0x48: {  	[sflag:s10] =	ssyncset.done $0x0  }
0x49: {  	[sflag:s10] =	ssyncadd.s32 $0xFFFF9C00  }
0x4a: {  	[bflag:$0x0] =	sbarrier.arrive $0xFFFF  }
0x4b: {  	[tilespmem:s11], [sflag:$0x2] =	stream.indirect.gather [spmem:s2], $0x80, s13, s14, $0xb8;
	[tilespmem:$0x18600] =	vst v63  }
0x4c: {  	_ = 	snop  }
0x4d: {  	[tilespmem:s16], [sflag:$0x2] =	stream.indirect.gather [spmem:s2], $0x80, s15, s14, $0xb8;
	[tilespmem:$0x18600] =	vst v63  }
0x4e: {  	_ = 	snop  }
0x4f: {  	[tilespmem:s18], [sflag:$0x2] =	stream.indirect.gather [spmem:s2], $0x80, s17, s14, $0xb8;
	[tilespmem:$0x18600] =	vst v63  }
0x50: {  	s25 =	smov.u32 s8;
	s26 =	smov.u32 s7  }
0x51: {  	[tilespmem:s20], [sflag:$0x2] =	stream.indirect.gather [spmem:s2], $0x80, s19, s14, $0xb8;
	[tilespmem:$0x18600] =	vst v63  }
.LBB2_6:
0x52: {  	_ =	swait.ge [sflag:s21], $0x4000  }
0x53: {  	p1 =	seq.s32 s24, $0x18800;
	[sflag:s21] =	ssyncset.done $0x0  }
0x54: {  	s28 =	simm.s32 @!p1 $0x3;
	[sflag:s21] =	ssyncadd.s32 $0xFFFFC000  }
0x55: {  	[hbm4b:s26+s3] =	stream.linear.scatter [tilespmem:s11], [sflag:$0x3], $0x4000, $0x38;
	[tilespmem:$0x18600] =	vst v63  }
0x56: {  	_ =	swait.ge @!p1 [sflag:s28], $0x4000  }
0x57: {  	s29 =	sshra.s32 @!p1 s24, $0x2;
	s31 =	simm.s32 @!p1 $0x80;
	[sflag:s28] =	ssyncset.done @!p1 $0x0  }
0x58: {  	s1 =	simm.s32 @!p1 $0x8600;
	s30 =	sadd.s32 @!p1 $0x400, s29;
	[sflag:s28] =	ssyncadd.s32 @!p1 $0xFFFFC000  }
0x59: {  	[tilespmem:s1], [sflag:$0x2] =	stream.indirect.gather @!p1 [spmem:s2], $0x80, s30, s31, $0xb8;
	[tilespmem:$0x18600] =	vst v63  }
0x5a: {  	_ =	swait.ge [sflag:s21], $0x4000  }
0x5b: {  	[sflag:s21] =	ssyncset.done $0x0  }
0x5c: {  	s30 =	sadd.s32 $0xFFFFF000, s25;
	s1 =	simm.s32 @p1 $0x2;
	[sflag:s21] =	ssyncadd.s32 $0xFFFFC000  }
0x5d: {  	[hbm4b:s30+s3] =	stream.linear.scatter [tilespmem:s16], [sflag:$0x3], $0x4000, $0x38;
	[tilespmem:$0x18600] =	vst v63  }
0x5e: {  	_ =	swait.ge @p1 [sflag:s1], $0x4000  }
0x5f: {  	[sflag:s1] =	ssyncset.done @p1 $0x0  }
0x60: {  	s30 =	simm.s32 @p1 $0x10600;
	[sflag:s1] =	ssyncadd.s32 @p1 $0xFFFFC000;
	s1 =	simm.s32 @p1 $0x0  }
0x61: {  	[hbm4b:s6+s1] =	stream.linear.scatter @p1 [tilespmem:s30], [sflag:$0x3], $0x4000, $0x38;
	[tilespmem:$0x18600] =	vst v63  }
0x62: {  	_ =	swait.ge @!p1 [sflag:s28], $0x4000  }
0x63: {  	[sflag:s28] =	ssyncset.done @!p1 $0x0  }
0x64: {  	s1 =	sadd.s32 @!p1 $0x480, s29;
	s30 =	simm.s32 @!p1 $0xC600;
	[sflag:s28] =	ssyncadd.s32 @!p1 $0xFFFFC000  }
0x65: {  	[tilespmem:s30], [sflag:$0x2] =	stream.indirect.gather @!p1 [spmem:s2], $0x80, s1, s31, $0xb8;
	[tilespmem:$0x18600] =	vst v63  }
0x66: {  	s1 =	simm.s32 @!p1 $0x2  }
0x67: {  	_ =	swait.ge @!p1 [sflag:s1], $0x4000  }
0x68: {  	s0 =	simm.s32 @!p1 $0x10600;
	[sflag:s1] =	ssyncset.done @!p1 $0x0  }
0x69: {  	s30 =	simm.s32 @!p1 $0x0;
	[sflag:s1] =	ssyncadd.s32 @!p1 $0xFFFFC000;
	s1 =	sadd.s32 @!p1 $0xFFFFF800, s25  }
0x6a: {  	[hbm4b:s1+s30] =	stream.linear.scatter @!p1 [tilespmem:s0], [sflag:$0x3], $0x4000, $0x38;
	[tilespmem:$0x18600] =	vst v63  }
0x6b: {  	_ =	swait.ge @!p1 [sflag:s28], $0x4000  }
0x6c: {  	[sflag:s28] =	ssyncset.done @!p1 $0x0  }
0x6d: {  	s1 =	sadd.s32 @!p1 $0x500, s29;
	[sflag:s28] =	ssyncadd.s32 @!p1 $0xFFFFC000  }
0x6e: {  	[tilespmem:s0], [sflag:$0x2] =	stream.indirect.gather @!p1 [spmem:s2], $0x80, s1, s31, $0xb8;
	[tilespmem:$0x18600] =	vst v63  }
0x6f: {  	_ =	swait.ge [sflag:s21], $0x4000  }
0x70: {  	[sflag:s21] =	ssyncset.done $0x0  }
.Ltmp4:
0x71: {  	[sflag:s21] =	ssyncadd.s32 $0xFFFFC000;
	(pc) =	sbr.rel @p1 .LBB2_8-.Ltmp4, $4  }
0x72: {  	[hbm4b:s25+s3] =	stream.linear.scatter [tilespmem:s20], [sflag:$0x3], $0x4000, $0x38;
	[tilespmem:$0x18600] =	vst v63  }
0x73: {  	_ =	swait.ge [sflag:s22], $0x4000  }
0x74: {  	[sflag:s22] =	ssyncset.done $0x0  }
0x75: {  	[sflag:s22] =	ssyncadd.s32 $0xFFFFC000  }
.Ltmp5:
0x76: {  	(pc) =	sbr.rel .LBB2_6-.Ltmp5, $4  }
0x77: {  	_ = 	snop  }
0x78: {  	s0 =	sshra.s32 s24, $0x2;
	s24 =	sadd.s32 $0x800, s24  }
0x79: {  	s26 =	sadd.s32 $0x2000, s26;
	s25 =	sadd.s32 $0x2000, s25;
	s0 =	sadd.s32 $0x580, s0  }
0x7a: {  	[tilespmem:s20], [sflag:$0x2] =	stream.indirect.gather [spmem:s2], $0x80, s0, s14, $0xb8;
	[tilespmem:$0x18600] =	vst v63  }
.LBB2_9:
0x7b: {  	_ =	sfence.sel $0x180000  }
0x7c: {  	[bflag:$0x0] =	sbarrier.arrive $0xFFFF  }
0x7d: {  	_ =	strace $0x90000047  }
0x7e: {  	[bflag:$0x2] =	sbarrier.arrive $0xFFFF  }
0x7f: {  	s0 =	rddreg [dreg:$0x4]  }
0x80: {  	s0 =	sadd.s32 @!p0 $0x100000, s0  }
0x81: {  	[sflag:s0] =	ssyncadd.tile.s32 @!p0 $0x1;
	_ =	shalt  }
.Lfunc_end2:
_tile_overlayer_lowered:
.L_overlay_start_2:
0x82: {  	(tag) =	ssettag $0x2  }
0x83: {  	s0 =	rddreg [dreg:$0x0];
	s2 =	stileid.u32  }
0x84: {  	s1 =	rddreg [dreg:$0x1];
	p0 =	sne.s32 s2, $0x0  }
0x85: {  	s3 =	rddreg [dreg:$0x2];
	[bflag:$0x3] =	sbarrier.arrive $0xFFFF;
	s2 =	simm.s32 @!p0 $0x1C04  }
0x86: {  	[timem:s3], [sflag:s2] =	dma.local @!p0 [hbm:s0], s1  }
0x87: {  	s0 =	simm.s32 @!p0 $0x4  }
0x88: {  	_ =	swait.ge @!p0 [sflag:s0], s1  }
0x89: {  	s1 =	ssub.s32 @!p0 $0x0, s1;
	[sflag:s0] =	ssyncset.done @!p0 $0x0  }
0x8a: {  	[sflag:s0] =	ssyncadd.s32 @!p0 s1  }
0x8b: {  	[bflag:$0x3] =	sbarrier.arrive $0xFFFF  }
0x8c: {  	_ =	shalt  }

// kernel: sparse-core-data-format-call.cloned.1.call-start
scs
called_computation_lowered:
.L_overlay_start_0:
0x0: {  	s2 =	sld [smem:$0x3FD9]  }
0x1: {  	s3 =	sld [smem:$0x3FFE];
	_ =	sdelay $0x1  }
0x2: {  	s1 =	srdreg.scid  }
0x3: {  	s0 =	sand.u32 $0x1, s1  }
0x4: {  	s18 =	sshll.u32 s0, $0xA;
	s2 =	sadd.s32 s3, s2  }
0x5: {  	s2 =	sadd.s32 s2, s18  }
0x6: {  	[smem:$0x3FC6] =	sst s2  }
0x7: {  	_ = 	snop  }
0x8: {  	s2 =	sld [smem:$0x3FD0];
	(tm) =	ssettm $0x1  }
0x9: {  	s19 =	sld [smem:$0x3FFB];
	_ =	sdelay $0x3  }
0xa: {  	_ =	strace s19  }
0xb: {  	s3 =	sld [smem:$0x3FFC];
	_ =	sdelay $0x3  }
0xc: {  	_ =	strace s3  }
0xd: {  	s3 =	sld [smem:$0x3FFD];
	_ =	sdelay $0x3  }
0xe: {  	_ =	strace s3  }
0xf: {  	_ =	strace $0x8FFFFFFF  }
0x10: {  	s20 =	sld [smem:$0x3FDB];
	_ =	sdelay $0x1  }
0x11: {  	s4 =	simm.s32 $_scs_section_size  }
0x12: {  	s5 =	simm.s32 $_size__tile_overlayer_lowered;
	s6 =	simm.s32 $_tile_overlayer_lowered  }
0x13: {  	s23 =	simm.s32 $0x1BFF;
	s22 =	sshll.u32 s6, $0x1;
	s3 =	sadd.s32 s4, s20  }
0x14: {  	s7 =	simm.s32 $0x0;
	s21 =	sshll.u32 s5, $0x1;
	s5 =	sadd.s32 s22, s3  }
0x15: {  	[timem:s7], [sflag:s23] =	dma.local [hbm:s5], s21  }
0x16: {  	_ =	swait.ge [sflag:s23], s21  }
0x17: {  	s4 =	ssub.s32 $0x0, s21;
	[sflag:s23] =	ssyncset.done $0x0  }
0x18: {  	[sflag:s23] =	ssyncadd.s32 s4;
	_ =	sdelay $0x1  }
0x19: {  	s24 =	simm.s32 $0x1B8B  }
0x1a: {  	_ =	swait.ge [sflag:s24], $0x1  }
0x1b: {  	[sflag:s24] =	ssyncset.done $0x0  }
0x1c: {  	s26 =	simm.s32 $0x1B8E;
	s25 =	sld [smem:$0x3FFE];
	[sflag:s24] =	ssyncadd.s32 $0xFFFFFFFF  }
0x1d: {  	s27 =	simm.s32 $execute0_lowered;
	[smem:$0x3FD2] =	sst s26  }
0x1e: {  	s5 =	sshll.u32 s27, $0x1;
	_ =	strace $0x80000049;
	[dreg:$0x1] =	wrdreg $0xFFFFFFFF  }
0x1f: {  	s28 =	simm.s32 $_size_execute0_lowered;
	s3 =	sadd.s32 s3, s5;
	[dreg:$0x0] =	wrdreg $0x0  }
0x20: {  	s5 =	sshll.u32 s28, $0x1;
	[dreg:$0x2] =	wrdreg s3  }
0x21: {  	[dreg:$0x3] =	wrdreg s5  }
0x22: {  	[dreg:$0x4] =	wrdreg $0xC0  }
0x23: {  	_ =	task [dreg:s7], $0x5FFFF  }
0x24: {  	[dreg:$0x1] =	wrdreg $0xFFFFFFFF  }
0x25: {  	[dreg:$0x0] =	wrdreg $0x60  }
0x26: {  	[dreg:$0x2] =	wrdreg s25  }
0x27: {  	[dreg:$0x3] =	wrdreg s2  }
0x28: {  	[dreg:$0x4] =	wrdreg $0x9  }
0x29: {  	_ =	task.clear_ibuf [dreg:s7], $0x5FFFF;
	_ =	strace $0x90000049  }
0x2a: {  	s29 =	simm.s32 $0x9;
	_ =	strace $0x8000004B  }
0x2b: {  	_ =	swait.ge [sflag:s29], $0x1  }
0x2c: {  	[sflag:s29] =	ssyncadd.s32 $0xFFFFFFFF  }
0x2d: {  	_ =	strace $0x9000004B  }
0x2e: {  	_ =	sfence  }
0x2f: {  	s30 =	sld [smem:$0x0];
	_ =	sdelay $0x2  }
0x30: {  	s31 =	sshll.u32 s1, $0xD;
	s1 =	sshrl.u32 s1, $0x2  }
0x31: {  	s3 =	sand.u32 $0x4000, s31;
	s1 =	sadd.s32 s1, s30  }
0x32: {  	s0 =	sor.u32 s3, s0;
	s1 =	sshll.u32 s1, $0x11  }
0x33: {  	s0 =	sor.u32 s1, s0  }
0x34: {  	s0 =	sadd.s32 $0x8F2B, s0  }
0x35: {  	[sflag:s0] =	ssyncadd.remote.s32 $0x1  }
0x36: {  	_ =	sfence.sel $0xFFFF  }
0x37: {  	[dreg:$0x0] =	wrdreg $0xFFFFFFFF;
	(pc) =	sbr.abs _section_cstart, $3  }
0x38: {  	[dreg:$0x1] =	wrdreg $0xFFFFFFFF  }
0x39: {  	_ =	task.clear_ibuf [dreg:s7], $0x2FFFF;
	_ =	strace $0x9FFFFFFF  }
0x3a: {  	(tm) =	ssettm $0x7FFFFFFF  }
0x3b: {  	_ =	shalt  }
tec
execute0_lowered:
.L_overlay_start_1:
0x0: {  	(tag) =	ssettag $0x1  }
0x1: {  	s0 =	srdreg.scid  }
0x2: {  	s1 =	sshll.u32 s0, $0x4  }
0x3: {  	s0 =	stileid.u32;
	s1 =	sand.u32 $0x10, s1  }
0x4: {  	s1 =	sor.u32 s0, s1  }
0x5: {  	s6 =	rddreg [dreg:$0x0];
	s4 =	simm.s32 $0x1;
	s2 =	sshll.u32 s1, $0x7  }
0x6: {  	s7 =	simm.s32 $0x2;
	s12 =	simm.s32 $0x0;
	s1 =	ssub.s32 $0x1000, s2  }
0x7: {  	s8 =	simm.s32 $0x8000;
	s13 =	simm.s32 $0x0;
	s3 =	sand.u32 $0xF80, s1  }
0x8: {  	s9 =	simm.s32 $0x0;
	s5 =	sshrl.u32 s1, $0xC;
	p0 =	sne.s32 s3, $0x0  }
.Ltmp0:
0x9: {  	s1 =	rddreg [dreg:$0x2];
	s4 =	simm.s32 @!p0 $0x0;
	(pc) =	sbr.rel .LBB1_1-.Ltmp0, $4  }
0xa: {  	s11 =	simm.s32 $0x0;
	s3 =	rddreg [dreg:$0x1];
	s5 =	sadd.s32 s4, s5  }
0xb: {  	_ =	strace $0x8000004A;
	s4 =	simm.s32 $0x1;
	s5 =	smul.u32 $0xC8, s5  }
0xc: {  	s6 =	sadd.s32 $0x800, s6;
	s10 =	smov.u32 s2;
	[sflag:s4] =	ssyncpa.u1 $0x0  }
0xd: {  	p0 =	por $0x0, $0x0;
	[sflag:s7] =	ssyncpa.u1 $0x0;
	s7 =	sor.u32 $0x1, s5  }
.LBB1_4:
0xe: {  	s16 =	sshll.u32 s13, $0x3;
	s17 =	sand.u32 $0x78, s13  }
0xf: {  	s30 =	sand.u32 $0x7E00, s13;
	s12 =	sshll.u32 s12, $0xF;
	s16 =	sand.u32 $0xC00, s16  }
0x10: {  	[tilespmem:s15+$0x810 ss:$0x81] =	vst.msk $0xffff, v2;
	s31 =	sand.u32 $0x7, s13;
	s16 =	sor.u32 s17, s16;
	s17 =	sadd.s32 s3, s30  }
0x11: {  	[tilespmem:s15+$0x1020 ss:$0x81] =	vst.msk $0xffff, v0;
	s13 =	sshll.u32 s31, $0x12;
	s12 =	sadd.s32 s12, s17;
	s16 =	sshrl.u32 s16, $0x3  }
0x12: {  	[tilespmem:s15+$0x0 ss:$0x81] =	vst.msk $0xffff, v1;
	s13 =	sor.u32 $0x400, s13;
	s12 =	sadd.s32 s16, s12  }
0x13: {  	[hbm4b:s12+s13] =	stream.strided.scatter [tilespmem:s14], [sflag:$0x2], $0x2000, s8, s13, $0x20;
	[tilespmem:$0x8080] =	vst v63  }
.LBB1_5:
0x14: {  	s14 =	sadd.s32 $0x1, s9  }
0x15: {  	s12 =	sadd.s32 $0x1000, s10;
	s16 =	smov.u32 s10;
	p2 =	sgt.s32 s14, $0xC7  }
0x16: {  	s16 =	smov.u32 @p2 s12  }
0x17: {  	s14 =	simm.s32 @p2 $0x0;
	p2 =	sgt.s32 s16, $0xFFF  }
0x18: {  	s16 =	smov.u32 @p2 s2;
	p2 =	sne.s32 s11, s7  }
.Ltmp1:
0x19: {  	p1 =	slt.u32 s11, $0x2;
	(pc) =	sbr.rel @!p2 .LBB1_6-.Ltmp1, $4  }
0x1a: {  	s15 =	simm.s32 @!p1 $0x2  }
0x1b: {  	s13 =	smov.u32 s10;
	p0 =	por !p0, !p0;
	_ =	swait.ge @!p1 [sflag:s15], $0x2000  }
0x1c: {  	s12 =	smov.u32 s9;
	[sflag:s15] =	ssyncset.done @!p1 $0x0;
	s9 =	smov.u32 s14  }
0x1d: {  	s11 =	sadd.s32 $0x1, s11;
	[sflag:s15] =	ssyncadd.s32 @!p1 $0xFFFFE000;
	s10 =	smov.u32 s16  }
.LBB1_1:
0x1e: {  	p1 =	sge.u32 s11, s5  }
0x1f: {  	s14 =	sand.u32 @!p1 $0x1FFFFFF, s9  }
0x20: {  	s15 =	smulhi.u32 @!p1 $0x147AE15, s14;
	_ =	sdelay $0x1  }
0x21: {  	s15 =	smul.u32 @!p1 $0xC8, s15  }
0x22: {  	s16 =	sxor.u32 @!p1 $0xFFFFFFFF, s11;
	s17 =	smul.u32 @!p1 $0xC80, s10  }
0x23: {  	s31 =	sadd.s32 $0xFFFFFFFF, s11;
	s16 =	sshll.u32 @!p1 s16, $0xD;
	s14 =	ssub.s32 @!p1 s14, s15  }
0x24: {  	s15 =	sand.u32 @!p1 $0x2000, s16;
	s16 =	sadd.s32 @!p1 s6, s17;
	s14 =	sshll.u32 @!p1 s14, $0x4  }
0x25: {  	s17 =	simm.s32 @!p1 $0x6400;
	s14 =	sadd.s32 @!p1 s14, s16;
	s16 =	simm.s32 @!p1 $0x40  }
0x26: {  	[tilespmem:s15], [sflag:$0x1] =	stream.strided.gather @!p1 [hbm4b:s14+s16], $0x2000, s17, s16, $0x38;
	[tilespmem:$0x8080] =	vst v63  }
0x27: {  	p1 =	sge.u32 s31, s5  }
.Ltmp2:
0x28: {  	_ = 	snop;
	(pc) =	sbr.rel @p1 .LBB1_5-.Ltmp2, $1  }
0x29: {  	_ =	sdelay $0x3  }
0x2a: {  	s14 =	simm.s32 $0x1  }
0x2b: {  	_ =	swait.ge [sflag:s4], $0x2000;
	s14 =	simm.s32 @!p0 $0x0  }
0x2c: {  	[sflag:s4] =	ssyncset.done $0x0;
	s15 =	sshll.u32 s14, $0xD  }
0x2d: {  	[sflag:s4] =	ssyncadd.s32 $0xFFFFE000;
	s18 =	sor.u32 $0x20, s15  }
0x2e: {  	s14 =	smul.u32 $0x8100, s14;
	v3 =	vld [tilespmem:s18+$0x10]  }
0x2f: {  	s30 =	sand.u32 $0x1, s11;
	v2 =	vld [tilespmem:s18+$0xFFFFFFF0]  }
0x30: {  	s15 =	smul.u32 $0x8100, s30;
	s14 =	sshrl.u32 s14, $0x2;
	v0 =	vld [tilespmem:s18+$0x0]  }
0x31: {  	v1 =	vld [tilespmem:s18+$0xFFFFFFE0];
	s16 =	sor.u32 $0x4000, s14  }
0x32: {  	s31 =	sshrl.u32 s15, $0x2;
	s15 =	sadd.s32 $0x0, s16  }
0x33: {  	s17 =	simm.s32 $0x4;
	s18 =	sadd.s32 $0x40, s18;
	s14 =	sor.u32 $0x4000, s31;
	[tilespmem:s15+$0x1830 ss:$0x81] =	vst.msk $0xffff, v3  }
.LBB1_3:
0x34: {  	v3 =	vld [tilespmem:s18+$0x10];
	p1 =	sne.s32 s17, $0x1FC;
	[tilespmem:s15+$0x810 ss:$0x81] =	vst.msk $0xffff, v2;
	s19 =	smov.u32 s17;
	s17 =	sadd.s32 $0x4, s17  }
.Ltmp3:
0x35: {  	v2 =	vld [tilespmem:s18+$0xFFFFFFF0];
	[tilespmem:s15+$0x1020 ss:$0x81] =	vst.msk $0xffff, v0;
	(pc) =	sbr.rel @p1 .LBB1_3-.Ltmp3, $4  }
0x36: {  	v0 =	vld [tilespmem:s18+$0x0];
	[tilespmem:s15+$0x0 ss:$0x81] =	vst.msk $0xffff, v1  }
0x37: {  	s15 =	sshra.s32 s19, $0x2;
	v1 =	vld [tilespmem:s18+$0xFFFFFFE0]  }
0x38: {  	s15 =	sadd.s32 s15, s16  }
0x39: {  	s18 =	sadd.s32 $0x40, s18;
	[tilespmem:s15+$0x1830 ss:$0x81] =	vst.msk $0xffff, v3  }
.Ltmp4:
0x3a: {  	_ = 	snop;
	(pc) =	sbr.rel .LBB1_4-.Ltmp4, $1  }
0x3b: {  	_ =	sdelay $0x3  }
.LBB1_6:
0x3c: {  	_ =	sfence.sel $0x180000  }
0x3d: {  	s2 =	simm.s32 $0x1;
	[bflag:$0x0] =	sbarrier.arrive $0xFFFF  }
0x3e: {  	s31 =	simm.s32 $0x2;
	[sflag:s2] =	ssyncpa.u1 $0x1  }
0x3f: {  	[sflag:s31] =	ssyncpa.u1 $0x1  }
0x40: {  	p0 =	sne.s32 s0, $0x0;
	_ =	strace $0x9000004A  }
0x41: {  	s0 =	sadd.s32 @!p0 $0x100000, s1;
	[bflag:$0x2] =	sbarrier.arrive $0xFFFF  }
0x42: {  	[sflag:s0] =	ssyncadd.tile.s32 @!p0 $0x1;
	_ =	shalt  }
.Lfunc_end1:
_tile_overlayer_lowered:
.L_overlay_start_2:
0x43: {  	(tag) =	ssettag $0x2  }
0x44: {  	s0 =	rddreg [dreg:$0x0];
	s2 =	stileid.u32  }
0x45: {  	s1 =	rddreg [dreg:$0x1];
	p0 =	sne.s32 s2, $0x0  }
0x46: {  	s3 =	rddreg [dreg:$0x2];
	[bflag:$0x3] =	sbarrier.arrive $0xFFFF;
	s2 =	simm.s32 @!p0 $0x1C01  }
0x47: {  	[timem:s3], [sflag:s2] =	dma.local @!p0 [hbm:s0], s1  }
0x48: {  	s0 =	simm.s32 @!p0 $0x1  }
0x49: {  	_ =	swait.ge @!p0 [sflag:s0], s1  }
0x4a: {  	s1 =	ssub.s32 @!p0 $0x0, s1;
	[sflag:s0] =	ssyncset.done @!p0 $0x0  }
0x4b: {  	[sflag:s0] =	ssyncadd.s32 @!p0 s1  }
0x4c: {  	[bflag:$0x3] =	sbarrier.arrive $0xFFFF  }
0x4d: {  	_ =	shalt  }

</sc_bundles>
